<compile_context>
chip_gen: v7x
topology: tpu7x:2x2x1
jax: 0.10.2.dev20260603
libtpu: 0.0.44.dev20260713+nightly
codegen_flags: <defaults>
</compile_context>

<pallas_src>
import dataclasses
import functools

import jax
import jax.numpy as jnp
from jax import lax
from jax.experimental import pallas as pl
from jax.experimental.pallas import tpu as pltpu
from jax.experimental.pallas import tpu_sc as plsc

B = 16384
D = 128
TAGS = 20
N_SMALL = 50
H = 256

NC = 2
NS = 16
NW = NC * NS

N_CHUNK = 1
BC = B // N_CHUNK
B_PER_W = BC // NW
ROW_CHUNK = B_PER_W // 4
N_GRP = B_PER_W // 16

_sc_mesh = plsc.VectorSubcoreMesh(core_axis_name="c", subcore_axis_name="s")

_sc_cp = pltpu.CompilerParams()
if "needs_layout_passes" in pltpu.CompilerParams.__dataclass_fields__:
    _sc_cp = dataclasses.replace(_sc_cp, needs_layout_passes=False)


@functools.partial(
    pl.kernel,
    mesh=_sc_mesh,
    compiler_params=_sc_cp,
    out_type=(
        jax.ShapeDtypeStruct((BC, D), jnp.float32),
        jax.ShapeDtypeStruct((BC, D), jnp.float32),
    ),
    scratch_types=[
        pltpu.VMEM((B_PER_W,), jnp.int32),
        pltpu.VMEM((2 * TAGS, B_PER_W), jnp.int32),
        pltpu.VMEM((ROW_CHUNK, D), jnp.float32),
        pltpu.VMEM((ROW_CHUNK, D), jnp.float32),
        pltpu.VMEM((B_PER_W, D), jnp.float32),
        pltpu.SemaphoreType.DMA,
        pltpu.SemaphoreType.DMA,
        pltpu.SemaphoreType.DMA,
        pltpu.SemaphoreType.DMA,
    ],
)
def _sc_gather_hist(table_hbm, idx_hbm, tags_hbm,
                    rows_hbm, counts_hbm,
                    idx_v, tags_v, rows_a, rows_b, counts_v,
                    tsem, gsem_a, gsem_b, csem):
    wid = lax.axis_index("s") * NC + lax.axis_index("c")
    base = wid * B_PER_W

    tags_dma = pltpu.async_copy(tags_hbm.at[wid], tags_v, tsem)
    pltpu.sync_copy(idx_hbm.at[pl.ds(base, B_PER_W)], idx_v)
    g0 = pltpu.async_copy(
        table_hbm.at[idx_v.at[pl.ds(0, ROW_CHUNK)]], rows_a, gsem_a)
    g1 = pltpu.async_copy(
        table_hbm.at[idx_v.at[pl.ds(ROW_CHUNK, ROW_CHUNK)]], rows_b, gsem_b)

    zeros16 = jnp.zeros((16,), jnp.float32)

    @plsc.parallel_loop(0, B_PER_W, unroll=4)
    def _(r):
        for u in range(D // 16):
            counts_v[r, pl.ds(u * 16, 16)] = zeros16

    tags_dma.wait()
    ones16 = jnp.ones((16,), jnp.float32)
    iota16 = lax.iota(jnp.int32, 16)

    @plsc.parallel_loop(0, N_GRP * 2 * TAGS, unroll=4)
    def _(i):
        g = lax.bitwise_and(i, N_GRP - 1)
        t = lax.shift_right_logical(i, N_GRP.bit_length() - 1)
        rows = g * 16 + iota16
        ids16 = tags_v[t, pl.ds(g * 16, 16)]
        plsc.addupdate_scatter(counts_v, [rows, ids16], ones16)

    counts_out = pltpu.async_copy(
        counts_v, counts_hbm.at[pl.ds(base, B_PER_W)], csem)

    g0.wait()
    pltpu.sync_copy(rows_a, rows_hbm.at[pl.ds(base, ROW_CHUNK)])
    g2 = pltpu.async_copy(
        table_hbm.at[idx_v.at[pl.ds(2 * ROW_CHUNK, ROW_CHUNK)]], rows_a,
        gsem_a)
    g1.wait()
    pltpu.sync_copy(rows_b, rows_hbm.at[pl.ds(base + ROW_CHUNK, ROW_CHUNK)])
    g3 = pltpu.async_copy(
        table_hbm.at[idx_v.at[pl.ds(3 * ROW_CHUNK, ROW_CHUNK)]], rows_b,
        gsem_b)
    g2.wait()
    pltpu.sync_copy(rows_a, rows_hbm.at[pl.ds(base + 2 * ROW_CHUNK,
                                              ROW_CHUNK)])
    g3.wait()
    pltpu.sync_copy(rows_b, rows_hbm.at[pl.ds(base + 3 * ROW_CHUNK,
                                              ROW_CHUNK)])
    counts_out.wait()


BLK = 2048


def _mlp_body(genre_ref, counts_ref, tempo_ref, mt_ref, it_ref,
              wt_ref, bt_ref, w1_ref, b1_ref, w2_ref, b2_ref, out_ref):
    tempo = tempo_ref[...]
    tempo_vec = (tempo[:, 0:1] * wt_ref[0:1, :]
                 + tempo[:, 1:2] * wt_ref[1:2, :] + bt_ref[...])

    counts = counts_ref[...].astype(jnp.bfloat16)
    mood_vec = jnp.dot(counts[:, :D // 2], mt_ref[...],
                       preferred_element_type=jnp.float32) * (1.0 / TAGS)
    instr_vec = jnp.dot(counts[:, D // 2:], it_ref[...],
                        preferred_element_type=jnp.float32) * (1.0 / TAGS)

    x = jnp.concatenate(
        [genre_ref[...], tempo_vec, mood_vec, instr_vec],
        axis=-1).astype(jnp.bfloat16)
    h = jnp.maximum(
        jnp.dot(x, w1_ref[...], preferred_element_type=jnp.float32)
        + b1_ref[...], 0.0).astype(jnp.bfloat16)
    out_ref[...] = (jnp.dot(h, w2_ref[...], preferred_element_type=jnp.float32)
                    + b2_ref[...])


def _tc_mlp(chunk, out_prev, genre_vec, counts, tempo_range, mood_pad,
            instr_pad, Wt, bt2, W1, b12, W2, b22):
    n_blk = BC // BLK
    blk0 = chunk * n_blk
    full = lambda shape: pl.BlockSpec(shape, lambda i: (0, 0))

    specs = [
        pl.BlockSpec((BLK, D), lambda i: (i, 0)),
        pl.BlockSpec((BLK, D), lambda i: (i, 0)),
        pl.BlockSpec((BLK, 2), lambda i: (i, 0)),
        full((D // 2, D)),
        full((D // 2, D)),
        full((2, D)),
        full((1, D)),
        full((4 * D, H)),
        full((1, H)),
        full((H, D)),
        full((1, D)),
    ]
    args = (genre_vec, counts, tempo_range, mood_pad, instr_pad,
            Wt, bt2, W1, b12, W2, b22)
    if chunk == 0:
        body = _mlp_body
        aliases = {}
    else:
        def body(_, *refs):
            _mlp_body(*refs)
        specs = [pl.BlockSpec(memory_space=pl.ANY)] + specs
        args = (out_prev,) + args
        aliases = {0: 0}

    return pl.pallas_call(
        body,
        grid=(n_blk,),
        in_specs=specs,
        out_specs=pl.BlockSpec((BLK, D), lambda i: (blk0 + i, 0)),
        out_shape=jax.ShapeDtypeStruct((B, D), jnp.float32),
        input_output_aliases=aliases,
        compiler_params=pltpu.CompilerParams(
            dimension_semantics=("arbitrary",)),
    )(*args)


def kernel(genre_ids, tempo_range, mood_ids, instr_ids, genre_table,
           mood_table, instr_table, Wt, bt, W1, b1, W2, b2):
    genre_ids = genre_ids.astype(jnp.int32)

    ids_comb = jnp.concatenate(
        [mood_ids.astype(jnp.int32), instr_ids.astype(jnp.int32) + D // 2],
        axis=1)

    pad = jnp.zeros((D // 2 - N_SMALL, D), jnp.bfloat16)
    mood_pad = jnp.concatenate([mood_table.astype(jnp.bfloat16), pad], axis=0)
    instr_pad = jnp.concatenate([instr_table.astype(jnp.bfloat16), pad],
                                axis=0)
    Wt_ = Wt
    bt2 = bt.reshape(1, D)
    W1b = W1.astype(jnp.bfloat16)
    b12 = b1.reshape(1, H)
    W2b = W2.astype(jnp.bfloat16)
    b22 = b2.reshape(1, D)

    ids4 = (ids_comb.T.reshape(2 * TAGS, N_CHUNK, NW, B_PER_W)
            .transpose(1, 2, 0, 3))

    out = None
    for c in range(N_CHUNK):
        sl = slice(c * BC, (c + 1) * BC)
        genre_vec, counts = _sc_gather_hist(genre_table, genre_ids[sl],
                                            ids4[c])
        out = _tc_mlp(c, out, genre_vec, counts, tempo_range[sl],
                      mood_pad, instr_pad, Wt_, bt2, W1b, b12, W2b, b22)
    return out

# --- scband reference (transcript-rebuilt; emitter-appended) ---
"""Pipeline reference for scband-style-encoder-76270029242941 (READ-ONLY COPY).

The authoritative reference and input builder live on the scoring server;
editing this copy changes nothing except your own understanding.
"""

import jax, jax.numpy as jnp
import numpy as np

B = 16384
D = 128
NUM_GENRES = 100000
NUM_MOODS = 50
NUM_INSTR = 50
TAGS = 20

def setup_inputs(seed: int = 0) -> dict:
    key = jax.random.key(seed)
    ks = jax.random.split(key, 13)
    genre_ids = jax.random.randint(ks[0], (B,), 0, NUM_GENRES, dtype=jnp.int64 if jax.config.jax_enable_x64 else jnp.int32)
    tempo_range = jax.random.uniform(ks[1], (B, 2), dtype=jnp.float32) * 120.0 + 60.0
    mood_ids = jax.random.randint(ks[2], (B, TAGS), 0, NUM_MOODS)
    instr_ids = jax.random.randint(ks[3], (B, TAGS), 0, NUM_INSTR)
    genre_table = jax.random.normal(ks[4], (NUM_GENRES, D), dtype=jnp.float32) * 0.02
    mood_table = jax.random.normal(ks[5], (NUM_MOODS, D), dtype=jnp.float32) * 0.02
    instr_table = jax.random.normal(ks[6], (NUM_INSTR, D), dtype=jnp.float32) * 0.02
    Wt = jax.random.normal(ks[7], (2, D), dtype=jnp.float32) * 0.02
    bt = jnp.zeros((D,), dtype=jnp.float32)
    W1 = jax.random.normal(ks[8], (4 * D, 256), dtype=jnp.float32) * 0.02
    b1 = jnp.zeros((256,), dtype=jnp.float32)
    W2 = jax.random.normal(ks[9], (256, D), dtype=jnp.float32) * 0.02
    b2 = jnp.zeros((D,), dtype=jnp.float32)
    return {
        "genre_ids": genre_ids,
        "tempo_range": tempo_range,
        "mood_ids": mood_ids,
        "instr_ids": instr_ids,
        "genre_table": genre_table,
        "mood_table": mood_table,
        "instr_table": instr_table,
        "Wt": Wt,
        "bt": bt,
        "W1": W1,
        "b1": b1,
        "W2": W2,
        "b2": b2,
    }

def reference(genre_ids, tempo_range, mood_ids, instr_ids, genre_table, mood_table, instr_table, Wt, bt, W1, b1, W2, b2):
    # Batched faithful translation of StyleEncoder.forward over a batch of style dicts.
    genre_vec = jnp.take(genre_table, genre_ids, axis=0)              # [B, D] gather
    tempo_vec = tempo_range @ Wt + bt                                  # [B, D]
    mood_vec = jnp.take(mood_table, mood_ids, axis=0).mean(axis=1)    # [B, TAGS, D] -> [B, D]
    instr_vec = jnp.take(instr_table, instr_ids, axis=0).mean(axis=1) # [B, D]
    x = jnp.concatenate([genre_vec, tempo_vec, mood_vec, instr_vec], axis=-1)  # [B, 4D]
    h = jax.nn.relu(x @ W1 + b1)
    out = h @ W2 + b2
    return out

if __name__ == "__main__":
    import jax
    _d = setup_inputs()
    print(jax.jit(kernel)(*tuple(_d.values())))

</pallas_src>

<mosaic_0001>
#map = affine_map<(d0, d1) -> (0, 0)>
#map1 = affine_map<(d0, d1) -> (0)>
#map2 = affine_map<(d0, d1) -> (0, 0, 0)>
module attributes {stable_mosaic.version = 14 : i64} {
  func.func @_sc_gather_hist(%arg0: i32, %arg1: i32, %arg2: memref<100000x128xf32, #tpu.memory_space<hbm>>, %arg3: memref<16384xi32, #tpu.memory_space<hbm>>, %arg4: memref<32x40x512xi32, #tpu.memory_space<hbm>>, %arg5: memref<16384x128xf32, #tpu.memory_space<hbm>>, %arg6: memref<16384x128xf32, #tpu.memory_space<hbm>>, %arg7: memref<512xi32, #tpu.memory_space<vmem>>, %arg8: memref<40x512xi32, #tpu.memory_space<vmem>>, %arg9: memref<128x128xf32, #tpu.memory_space<vmem>>, %arg10: memref<128x128xf32, #tpu.memory_space<vmem>>, %arg11: memref<512x128xf32, #tpu.memory_space<vmem>>, %arg12: memref<!tpu.dma_semaphore, #tpu.memory_space<semaphore_mem>>, %arg13: memref<!tpu.dma_semaphore, #tpu.memory_space<semaphore_mem>>, %arg14: memref<!tpu.dma_semaphore, #tpu.memory_space<semaphore_mem>>, %arg15: memref<!tpu.dma_semaphore, #tpu.memory_space<semaphore_mem>>) attributes {dimension_semantics = [#tpu.dimension_semantics<core_parallel>, #tpu.dimension_semantics<subcore_parallel>], iteration_bounds = array<i64: 2, 16>, scalar_prefetch = 0 : i64, scratch_operands = 9 : i64, tpu.core_type = #tpu.core_type<sc_vector_subcore>, window_params = [{transform_indices = #map}, {transform_indices = #map1}, {transform_indices = #map2}, {transform_indices = #map}, {transform_indices = #map}]} {
    %mul3A = arith.constant 2 : i32
    %mul3A_0 = arith.muli %arg1, %mul3A : i32
    %add3A = arith.addi %mul3A_0, %arg0 : i32
    %mul3A_1 = arith.constant 512 : i32
    %mul3A_2 = arith.muli %add3A, %mul3A_1 : i32
    %dma_start3A = arith.constant 0 : i32
    %dma_start3A_3 = arith.constant 0 : i32
    %dma_start3A_4 = tpu.memref_slice %arg4[%add3A, %dma_start3A, %dma_start3A_3] : memref<32x40x512xi32, #tpu.memory_space<hbm>> -> memref<1x40x512xi32, #tpu.memory_space<hbm>>
    %dma_start3A_5 = tpu.memref_squeeze %dma_start3A_4 : memref<1x40x512xi32, #tpu.memory_space<hbm>> -> memref<40x512xi32, #tpu.memory_space<hbm>>
    %dma_start3A_6 = arith.constant 0 : i32
    %dma_start3A_7 = arith.constant 0 : i32
    %dma_start3A_8 = tpu.memref_slice %arg4[%add3A, %dma_start3A_6, %dma_start3A_7] : memref<32x40x512xi32, #tpu.memory_space<hbm>> -> memref<1x40x512xi32, #tpu.memory_space<hbm>>
    %dma_start3A_9 = tpu.memref_squeeze %dma_start3A_8 : memref<1x40x512xi32, #tpu.memory_space<hbm>> -> memref<40x512xi32, #tpu.memory_space<hbm>>
    tpu.enqueue_dma source(%dma_start3A_9 : memref<40x512xi32, #tpu.memory_space<hbm>>) target(%arg8 : memref<40x512xi32, #tpu.memory_space<vmem>>) target_semaphore(%arg12 : memref<!tpu.dma_semaphore, #tpu.memory_space<semaphore_mem>>)
    "tpu.region"() ({
      %run_scoped3A = tpu.sem_alloc : memref<!tpu.dma_semaphore, #tpu.memory_space<semaphore_mem>>
      %dma_start3A_79 = tpu.memref_slice %arg3[%mul3A_2] : memref<16384xi32, #tpu.memory_space<hbm>> -> memref<512xi32, #tpu.memory_space<hbm>>
      %dma_start3A_80 = tpu.memref_slice %arg3[%mul3A_2] : memref<16384xi32, #tpu.memory_space<hbm>> -> memref<512xi32, #tpu.memory_space<hbm>>
      tpu.enqueue_dma source(%dma_start3A_80 : memref<512xi32, #tpu.memory_space<hbm>>) target(%arg7 : memref<512xi32, #tpu.memory_space<vmem>>) target_semaphore(%run_scoped3A : memref<!tpu.dma_semaphore, #tpu.memory_space<semaphore_mem>>)
      %dma_wait3A_81 = tpu.memref_slice %arg3[%mul3A_2] : memref<16384xi32, #tpu.memory_space<hbm>> -> memref<512xi32, #tpu.memory_space<hbm>>
      %dma_wait3A_82 = tpu.memref_slice %arg3[%mul3A_2] : memref<16384xi32, #tpu.memory_space<hbm>> -> memref<512xi32, #tpu.memory_space<hbm>>
      tpu.wait_dma2 semaphore(%run_scoped3A : memref<!tpu.dma_semaphore, #tpu.memory_space<semaphore_mem>>) src(%dma_wait3A_82 : memref<512xi32, #tpu.memory_space<hbm>>) dst(%arg7 : memref<512xi32, #tpu.memory_space<vmem>>)
      tpu.yield
    }) : () -> ()
    %dma_start3A_10 = arith.constant 0 : i32
    %dma_start3A_11 = tpu.memref_slice %arg7[%dma_start3A_10] : memref<512xi32, #tpu.memory_space<vmem>> -> memref<128xi32, #tpu.memory_space<vmem>>
    %dma_start3A_12 = arith.constant 0 : i32
    %dma_start3A_13 = arith.constant 0 : i32
    %dma_start3A_14 = tpu.memref_slice %arg2[%dma_start3A_12, %dma_start3A_13] : memref<100000x128xf32, #tpu.memory_space<hbm>> -> memref<100000x128xf32, #tpu.memory_space<hbm>>
    tpu.enqueue_indirect_dma source(%dma_start3A_14 : memref<100000x128xf32, #tpu.memory_space<hbm>>) target(%arg9 : memref<128x128xf32, #tpu.memory_space<vmem>>) offsets(%dma_start3A_11 : memref<128xi32, #tpu.memory_space<vmem>>) semaphore(%arg13 : memref<!tpu.dma_semaphore, #tpu.memory_space<semaphore_mem>>)
    %dma_start3A_15 = arith.constant 128 : i32
    %dma_start3A_16 = tpu.memref_slice %arg7[%dma_start3A_15] : memref<512xi32, #tpu.memory_space<vmem>> -> memref<128xi32, #tpu.memory_space<vmem>>
    %dma_start3A_17 = arith.constant 0 : i32
    %dma_start3A_18 = arith.constant 0 : i32
    %dma_start3A_19 = tpu.memref_slice %arg2[%dma_start3A_17, %dma_start3A_18] : memref<100000x128xf32, #tpu.memory_space<hbm>> -> memref<100000x128xf32, #tpu.memory_space<hbm>>
    tpu.enqueue_indirect_dma source(%dma_start3A_19 : memref<100000x128xf32, #tpu.memory_space<hbm>>) target(%arg10 : memref<128x128xf32, #tpu.memory_space<vmem>>) offsets(%dma_start3A_16 : memref<128xi32, #tpu.memory_space<vmem>>) semaphore(%arg14 : memref<!tpu.dma_semaphore, #tpu.memory_space<semaphore_mem>>)
    %broadcast_in_dim3A = arith.constant 0.000000e+00 : f32
    %broadcast_in_dim3A_20 = vector.broadcast %broadcast_in_dim3A : f32 to vector<16xf32>
    %parallel_loop3A = arith.constant 0 : i32
    %parallel_loop3A_21 = arith.constant 512 : i32
    %parallel_loop3A_22 = arith.constant 1 : i32
    scf.for %parallel_loop3A_79 = %parallel_loop3A to %parallel_loop3A_21 step %parallel_loop3A_22  : i32 {
      %parallel_loop3A_80 = arith.index_cast %parallel_loop3A_79 : i32 to index
      %parallel_loop3A_81 = arith.constant 0 : index
      %parallel_loop3A_82 = tpu.vector_load %arg11[%parallel_loop3A_80, %parallel_loop3A_81] {strides = array<i32>} : memref<512x128xf32, #tpu.memory_space<vmem>>, vector<16xf32>,
      tpu.vector_store %arg11[%parallel_loop3A_80, %parallel_loop3A_81], %broadcast_in_dim3A_20 {strides = array<i32>} : memref<512x128xf32, #tpu.memory_space<vmem>>, vector<16xf32>,
      %parallel_loop3A_83 = arith.index_cast %parallel_loop3A_79 : i32 to index
      %parallel_loop3A_84 = arith.constant 16 : index
      %parallel_loop3A_85 = tpu.vector_load %arg11[%parallel_loop3A_83, %parallel_loop3A_84] {strides = array<i32>} : memref<512x128xf32, #tpu.memory_space<vmem>>, vector<16xf32>,
      tpu.vector_store %arg11[%parallel_loop3A_83, %parallel_loop3A_84], %broadcast_in_dim3A_20 {strides = array<i32>} : memref<512x128xf32, #tpu.memory_space<vmem>>, vector<16xf32>,
      %parallel_loop3A_86 = arith.index_cast %parallel_loop3A_79 : i32 to index
      %parallel_loop3A_87 = arith.constant 32 : index
      %parallel_loop3A_88 = tpu.vector_load %arg11[%parallel_loop3A_86, %parallel_loop3A_87] {strides = array<i32>} : memref<512x128xf32, #tpu.memory_space<vmem>>, vector<16xf32>,
      tpu.vector_store %arg11[%parallel_loop3A_86, %parallel_loop3A_87], %broadcast_in_dim3A_20 {strides = array<i32>} : memref<512x128xf32, #tpu.memory_space<vmem>>, vector<16xf32>,
      %parallel_loop3A_89 = arith.index_cast %parallel_loop3A_79 : i32 to index
      %parallel_loop3A_90 = arith.constant 48 : index
      %parallel_loop3A_91 = tpu.vector_load %arg11[%parallel_loop3A_89, %parallel_loop3A_90] {strides = array<i32>} : memref<512x128xf32, #tpu.memory_space<vmem>>, vector<16xf32>,
      tpu.vector_store %arg11[%parallel_loop3A_89, %parallel_loop3A_90], %broadcast_in_dim3A_20 {strides = array<i32>} : memref<512x128xf32, #tpu.memory_space<vmem>>, vector<16xf32>,
      %parallel_loop3A_92 = arith.index_cast %parallel_loop3A_79 : i32 to index
      %parallel_loop3A_93 = arith.constant 64 : index
      %parallel_loop3A_94 = tpu.vector_load %arg11[%parallel_loop3A_92, %parallel_loop3A_93] {strides = array<i32>} : memref<512x128xf32, #tpu.memory_space<vmem>>, vector<16xf32>,
      tpu.vector_store %arg11[%parallel_loop3A_92, %parallel_loop3A_93], %broadcast_in_dim3A_20 {strides = array<i32>} : memref<512x128xf32, #tpu.memory_space<vmem>>, vector<16xf32>,
      %parallel_loop3A_95 = arith.index_cast %parallel_loop3A_79 : i32 to index
      %parallel_loop3A_96 = arith.constant 80 : index
      %parallel_loop3A_97 = tpu.vector_load %arg11[%parallel_loop3A_95, %parallel_loop3A_96] {strides = array<i32>} : memref<512x128xf32, #tpu.memory_space<vmem>>, vector<16xf32>,
      tpu.vector_store %arg11[%parallel_loop3A_95, %parallel_loop3A_96], %broadcast_in_dim3A_20 {strides = array<i32>} : memref<512x128xf32, #tpu.memory_space<vmem>>, vector<16xf32>,
      %parallel_loop3A_98 = arith.index_cast %parallel_loop3A_79 : i32 to index
      %parallel_loop3A_99 = arith.constant 96 : index
      %parallel_loop3A_100 = tpu.vector_load %arg11[%parallel_loop3A_98, %parallel_loop3A_99] {strides = array<i32>} : memref<512x128xf32, #tpu.memory_space<vmem>>, vector<16xf32>,
      tpu.vector_store %arg11[%parallel_loop3A_98, %parallel_loop3A_99], %broadcast_in_dim3A_20 {strides = array<i32>} : memref<512x128xf32, #tpu.memory_space<vmem>>, vector<16xf32>,
      %parallel_loop3A_101 = arith.index_cast %parallel_loop3A_79 : i32 to index
      %parallel_loop3A_102 = arith.constant 112 : index
      %parallel_loop3A_103 = tpu.vector_load %arg11[%parallel_loop3A_101, %parallel_loop3A_102] {strides = array<i32>} : memref<512x128xf32, #tpu.memory_space<vmem>>, vector<16xf32>,
      tpu.vector_store %arg11[%parallel_loop3A_101, %parallel_loop3A_102], %broadcast_in_dim3A_20 {strides = array<i32>} : memref<512x128xf32, #tpu.memory_space<vmem>>, vector<16xf32>,
    } {sc.loop_unroll_factor = 4 : i64, sc.parallel_access}
    %dma_wait3A = arith.constant 0 : i32
    %dma_wait3A_23 = arith.constant 0 : i32
    %dma_wait3A_24 = tpu.memref_slice %arg4[%add3A, %dma_wait3A, %dma_wait3A_23] : memref<32x40x512xi32, #tpu.memory_space<hbm>> -> memref<1x40x512xi32, #tpu.memory_space<hbm>>
    %dma_wait3A_25 = tpu.memref_squeeze %dma_wait3A_24 : memref<1x40x512xi32, #tpu.memory_space<hbm>> -> memref<40x512xi32, #tpu.memory_space<hbm>>
    %dma_wait3A_26 = arith.constant 0 : i32
    %dma_wait3A_27 = arith.constant 0 : i32
    %dma_wait3A_28 = tpu.memref_slice %arg4[%add3A, %dma_wait3A_26, %dma_wait3A_27] : memref<32x40x512xi32, #tpu.memory_space<hbm>> -> memref<1x40x512xi32, #tpu.memory_space<hbm>>
    %dma_wait3A_29 = tpu.memref_squeeze %dma_wait3A_28 : memref<1x40x512xi32, #tpu.memory_space<hbm>> -> memref<40x512xi32, #tpu.memory_space<hbm>>
    tpu.wait_dma2 semaphore(%arg12 : memref<!tpu.dma_semaphore, #tpu.memory_space<semaphore_mem>>) src(%dma_wait3A_29 : memref<40x512xi32, #tpu.memory_space<hbm>>) dst(%arg8 : memref<40x512xi32, #tpu.memory_space<vmem>>)
    %broadcast_in_dim3A_30 = arith.constant 1.000000e+00 : f32
    %broadcast_in_dim3A_31 = vector.broadcast %broadcast_in_dim3A_30 : f32 to vector<16xf32>
    %iota3A = tpu.iota {dimensions = array<i32: 0>} : vector<16xi32>
    %parallel_loop3A_32 = arith.constant 0 : i32
    %parallel_loop3A_33 = arith.constant 1280 : i32
    %parallel_loop3A_34 = arith.constant 1 : i32
    scf.for %parallel_loop3A_79 = %parallel_loop3A_32 to %parallel_loop3A_33 step %parallel_loop3A_34  : i32 {
      %parallel_loop3A_80 = arith.constant 31 : i32
      %parallel_loop3A_81 = arith.andi %parallel_loop3A_79, %parallel_loop3A_80 : i32
      %parallel_loop3A_82 = arith.constant 5 : i32
      %parallel_loop3A_83 = arith.shrui %parallel_loop3A_79, %parallel_loop3A_82 : i32
      %parallel_loop3A_84 = arith.constant 16 : i32
      %parallel_loop3A_85 = arith.muli %parallel_loop3A_81, %parallel_loop3A_84 : i32
      %parallel_loop3A_86 = vector.broadcast %parallel_loop3A_85 : i32 to vector<16xi32>
      %parallel_loop3A_87 = arith.addi %parallel_loop3A_86, %iota3A : vector<16xi32>
      %parallel_loop3A_88 = arith.constant 16 : i32
      %parallel_loop3A_89 = arith.muli %parallel_loop3A_81, %parallel_loop3A_88 : i32
      %parallel_loop3A_90 = arith.index_cast %parallel_loop3A_83 : i32 to index
      %parallel_loop3A_91 = arith.index_cast %parallel_loop3A_89 : i32 to index
      %parallel_loop3A_92 = tpu.vector_load %arg8[%parallel_loop3A_90, %parallel_loop3A_91] {strides = array<i32>} : memref<40x512xi32, #tpu.memory_space<vmem>>, vector<16xi32>,
      tpu.vector_store_idx %arg11[%parallel_loop3A_87, %parallel_loop3A_92], %broadcast_in_dim3A_31 {add = true} : memref<512x128xf32, #tpu.memory_space<vmem>>[vector<16xi32>, vector<16xi32>], vector<16xf32>,
    } {sc.loop_unroll_factor = 4 : i64, sc.parallel_access}
    %dma_start3A_35 = arith.constant 0 : i32
    %dma_start3A_36 = tpu.memref_slice %arg6[%mul3A_2, %dma_start3A_35] : memref<16384x128xf32, #tpu.memory_space<hbm>> -> memref<512x128xf32, #tpu.memory_space<hbm>>
    %dma_start3A_37 = arith.constant 0 : i32
    %dma_start3A_38 = tpu.memref_slice %arg6[%mul3A_2, %dma_start3A_37] : memref<16384x128xf32, #tpu.memory_space<hbm>> -> memref<512x128xf32, #tpu.memory_space<hbm>>
    tpu.enqueue_dma source(%arg11 : memref<512x128xf32, #tpu.memory_space<vmem>>) target(%dma_start3A_38 : memref<512x128xf32, #tpu.memory_space<hbm>>) target_semaphore(%arg15 : memref<!tpu.dma_semaphore, #tpu.memory_space<semaphore_mem>>)
    %dma_wait3A_39 = arith.constant 0 : i32
    %dma_wait3A_40 = tpu.memref_slice %arg7[%dma_wait3A_39] : memref<512xi32, #tpu.memory_space<vmem>> -> memref<128xi32, #tpu.memory_space<vmem>>
    %dma_wait3A_41 = arith.constant 0 : i32
    %dma_wait3A_42 = arith.constant 0 : i32
    %dma_wait3A_43 = tpu.memref_slice %arg2[%dma_wait3A_41, %dma_wait3A_42] : memref<100000x128xf32, #tpu.memory_space<hbm>> -> memref<100000x128xf32, #tpu.memory_space<hbm>>
    tpu.wait_indirect_dma semaphore(%arg13 : memref<!tpu.dma_semaphore, #tpu.memory_space<semaphore_mem>>) src(%dma_wait3A_43 : memref<100000x128xf32, #tpu.memory_space<hbm>>) dst(%arg9 : memref<128x128xf32, #tpu.memory_space<vmem>>)
    "tpu.region"() ({
      %run_scoped3A = tpu.sem_alloc : memref<!tpu.dma_semaphore, #tpu.memory_space<semaphore_mem>>
      %dma_start3A_79 = arith.constant 0 : i32
      %dma_start3A_80 = tpu.memref_slice %arg5[%mul3A_2, %dma_start3A_79] : memref<16384x128xf32, #tpu.memory_space<hbm>> -> memref<128x128xf32, #tpu.memory_space<hbm>>
      %dma_start3A_81 = arith.constant 0 : i32
      %dma_start3A_82 = tpu.memref_slice %arg5[%mul3A_2, %dma_start3A_81] : memref<16384x128xf32, #tpu.memory_space<hbm>> -> memref<128x128xf32, #tpu.memory_space<hbm>>
      tpu.enqueue_dma source(%arg9 : memref<128x128xf32, #tpu.memory_space<vmem>>) target(%dma_start3A_82 : memref<128x128xf32, #tpu.memory_space<hbm>>) target_semaphore(%run_scoped3A : memref<!tpu.dma_semaphore, #tpu.memory_space<semaphore_mem>>)
      %dma_wait3A_83 = arith.constant 0 : i32
      %dma_wait3A_84 = tpu.memref_slice %arg5[%mul3A_2, %dma_wait3A_83] : memref<16384x128xf32, #tpu.memory_space<hbm>> -> memref<128x128xf32, #tpu.memory_space<hbm>>
      %dma_wait3A_85 = arith.constant 0 : i32
      %dma_wait3A_86 = tpu.memref_slice %arg5[%mul3A_2, %dma_wait3A_85] : memref<16384x128xf32, #tpu.memory_space<hbm>> -> memref<128x128xf32, #tpu.memory_space<hbm>>
      tpu.wait_dma2 semaphore(%run_scoped3A : memref<!tpu.dma_semaphore, #tpu.memory_space<semaphore_mem>>) src(%arg9 : memref<128x128xf32, #tpu.memory_space<vmem>>) dst(%dma_wait3A_86 : memref<128x128xf32, #tpu.memory_space<hbm>>)
      tpu.yield
    }) : () -> ()
    %dma_start3A_44 = arith.constant 256 : i32
    %dma_start3A_45 = tpu.memref_slice %arg7[%dma_start3A_44] : memref<512xi32, #tpu.memory_space<vmem>> -> memref<128xi32, #tpu.memory_space<vmem>>
    %dma_start3A_46 = arith.constant 0 : i32
    %dma_start3A_47 = arith.constant 0 : i32
    %dma_start3A_48 = tpu.memref_slice %arg2[%dma_start3A_46, %dma_start3A_47] : memref<100000x128xf32, #tpu.memory_space<hbm>> -> memref<100000x128xf32, #tpu.memory_space<hbm>>
    tpu.enqueue_indirect_dma source(%dma_start3A_48 : memref<100000x128xf32, #tpu.memory_space<hbm>>) target(%arg9 : memref<128x128xf32, #tpu.memory_space<vmem>>) offsets(%dma_start3A_45 : memref<128xi32, #tpu.memory_space<vmem>>) semaphore(%arg13 : memref<!tpu.dma_semaphore, #tpu.memory_space<semaphore_mem>>)
    %dma_wait3A_49 = arith.constant 128 : i32
    %dma_wait3A_50 = tpu.memref_slice %arg7[%dma_wait3A_49] : memref<512xi32, #tpu.memory_space<vmem>> -> memref<128xi32, #tpu.memory_space<vmem>>
    %dma_wait3A_51 = arith.constant 0 : i32
    %dma_wait3A_52 = arith.constant 0 : i32
    %dma_wait3A_53 = tpu.memref_slice %arg2[%dma_wait3A_51, %dma_wait3A_52] : memref<100000x128xf32, #tpu.memory_space<hbm>> -> memref<100000x128xf32, #tpu.memory_space<hbm>>
    tpu.wait_indirect_dma semaphore(%arg14 : memref<!tpu.dma_semaphore, #tpu.memory_space<semaphore_mem>>) src(%dma_wait3A_53 : memref<100000x128xf32, #tpu.memory_space<hbm>>) dst(%arg10 : memref<128x128xf32, #tpu.memory_space<vmem>>)
    %add3A_54 = arith.constant 128 : i32
    %add3A_55 = arith.addi %mul3A_2, %add3A_54 : i32
    "tpu.region"() ({
      %run_scoped3A = tpu.sem_alloc : memref<!tpu.dma_semaphore, #tpu.memory_space<semaphore_mem>>
      %dma_start3A_79 = arith.constant 0 : i32
      %dma_start3A_80 = tpu.memref_slice %arg5[%add3A_55, %dma_start3A_79] : memref<16384x128xf32, #tpu.memory_space<hbm>> -> memref<128x128xf32, #tpu.memory_space<hbm>>
      %dma_start3A_81 = arith.constant 0 : i32
      %dma_start3A_82 = tpu.memref_slice %arg5[%add3A_55, %dma_start3A_81] : memref<16384x128xf32, #tpu.memory_space<hbm>> -> memref<128x128xf32, #tpu.memory_space<hbm>>
      tpu.enqueue_dma source(%arg10 : memref<128x128xf32, #tpu.memory_space<vmem>>) target(%dma_start3A_82 : memref<128x128xf32, #tpu.memory_space<hbm>>) target_semaphore(%run_scoped3A : memref<!tpu.dma_semaphore, #tpu.memory_space<semaphore_mem>>)
      %dma_wait3A_83 = arith.constant 0 : i32
      %dma_wait3A_84 = tpu.memref_slice %arg5[%add3A_55, %dma_wait3A_83] : memref<16384x128xf32, #tpu.memory_space<hbm>> -> memref<128x128xf32, #tpu.memory_space<hbm>>
      %dma_wait3A_85 = arith.constant 0 : i32
      %dma_wait3A_86 = tpu.memref_slice %arg5[%add3A_55, %dma_wait3A_85] : memref<16384x128xf32, #tpu.memory_space<hbm>> -> memref<128x128xf32, #tpu.memory_space<hbm>>
      tpu.wait_dma2 semaphore(%run_scoped3A : memref<!tpu.dma_semaphore, #tpu.memory_space<semaphore_mem>>) src(%arg10 : memref<128x128xf32, #tpu.memory_space<vmem>>) dst(%dma_wait3A_86 : memref<128x128xf32, #tpu.memory_space<hbm>>)
      tpu.yield
    }) : () -> ()
    %dma_start3A_56 = arith.constant 384 : i32
    %dma_start3A_57 = tpu.memref_slice %arg7[%dma_start3A_56] : memref<512xi32, #tpu.memory_space<vmem>> -> memref<128xi32, #tpu.memory_space<vmem>>
    %dma_start3A_58 = arith.constant 0 : i32
    %dma_start3A_59 = arith.constant 0 : i32
    %dma_start3A_60 = tpu.memref_slice %arg2[%dma_start3A_58, %dma_start3A_59] : memref<100000x128xf32, #tpu.memory_space<hbm>> -> memref<100000x128xf32, #tpu.memory_space<hbm>>
    tpu.enqueue_indirect_dma source(%dma_start3A_60 : memref<100000x128xf32, #tpu.memory_space<hbm>>) target(%arg10 : memref<128x128xf32, #tpu.memory_space<vmem>>) offsets(%dma_start3A_57 : memref<128xi32, #tpu.memory_space<vmem>>) semaphore(%arg14 : memref<!tpu.dma_semaphore, #tpu.memory_space<semaphore_mem>>)
    %dma_wait3A_61 = arith.constant 256 : i32
    %dma_wait3A_62 = tpu.memref_slice %arg7[%dma_wait3A_61] : memref<512xi32, #tpu.memory_space<vmem>> -> memref<128xi32, #tpu.memory_space<vmem>>
    %dma_wait3A_63 = arith.constant 0 : i32
    %dma_wait3A_64 = arith.constant 0 : i32
    %dma_wait3A_65 = tpu.memref_slice %arg2[%dma_wait3A_63, %dma_wait3A_64] : memref<100000x128xf32, #tpu.memory_space<hbm>> -> memref<100000x128xf32, #tpu.memory_space<hbm>>
    tpu.wait_indirect_dma semaphore(%arg13 : memref<!tpu.dma_semaphore, #tpu.memory_space<semaphore_mem>>) src(%dma_wait3A_65 : memref<100000x128xf32, #tpu.memory_space<hbm>>) dst(%arg9 : memref<128x128xf32, #tpu.memory_space<vmem>>)
    %add3A_66 = arith.constant 256 : i32
    %add3A_67 = arith.addi %mul3A_2, %add3A_66 : i32
    "tpu.region"() ({
      %run_scoped3A = tpu.sem_alloc : memref<!tpu.dma_semaphore, #tpu.memory_space<semaphore_mem>>
      %dma_start3A_79 = arith.constant 0 : i32
      %dma_start3A_80 = tpu.memref_slice %arg5[%add3A_67, %dma_start3A_79] : memref<16384x128xf32, #tpu.memory_space<hbm>> -> memref<128x128xf32, #tpu.memory_space<hbm>>
      %dma_start3A_81 = arith.constant 0 : i32
      %dma_start3A_82 = tpu.memref_slice %arg5[%add3A_67, %dma_start3A_81] : memref<16384x128xf32, #tpu.memory_space<hbm>> -> memref<128x128xf32, #tpu.memory_space<hbm>>
      tpu.enqueue_dma source(%arg9 : memref<128x128xf32, #tpu.memory_space<vmem>>) target(%dma_start3A_82 : memref<128x128xf32, #tpu.memory_space<hbm>>) target_semaphore(%run_scoped3A : memref<!tpu.dma_semaphore, #tpu.memory_space<semaphore_mem>>)
      %dma_wait3A_83 = arith.constant 0 : i32
      %dma_wait3A_84 = tpu.memref_slice %arg5[%add3A_67, %dma_wait3A_83] : memref<16384x128xf32, #tpu.memory_space<hbm>> -> memref<128x128xf32, #tpu.memory_space<hbm>>
      %dma_wait3A_85 = arith.constant 0 : i32
      %dma_wait3A_86 = tpu.memref_slice %arg5[%add3A_67, %dma_wait3A_85] : memref<16384x128xf32, #tpu.memory_space<hbm>> -> memref<128x128xf32, #tpu.memory_space<hbm>>
      tpu.wait_dma2 semaphore(%run_scoped3A : memref<!tpu.dma_semaphore, #tpu.memory_space<semaphore_mem>>) src(%arg9 : memref<128x128xf32, #tpu.memory_space<vmem>>) dst(%dma_wait3A_86 : memref<128x128xf32, #tpu.memory_space<hbm>>)
      tpu.yield
    }) : () -> ()
    %dma_wait3A_68 = arith.constant 384 : i32
    %dma_wait3A_69 = tpu.memref_slice %arg7[%dma_wait3A_68] : memref<512xi32, #tpu.memory_space<vmem>> -> memref<128xi32, #tpu.memory_space<vmem>>
    %dma_wait3A_70 = arith.constant 0 : i32
    %dma_wait3A_71 = arith.constant 0 : i32
    %dma_wait3A_72 = tpu.memref_slice %arg2[%dma_wait3A_70, %dma_wait3A_71] : memref<100000x128xf32, #tpu.memory_space<hbm>> -> memref<100000x128xf32, #tpu.memory_space<hbm>>
    tpu.wait_indirect_dma semaphore(%arg14 : memref<!tpu.dma_semaphore, #tpu.memory_space<semaphore_mem>>) src(%dma_wait3A_72 : memref<100000x128xf32, #tpu.memory_space<hbm>>) dst(%arg10 : memref<128x128xf32, #tpu.memory_space<vmem>>)
    %add3A_73 = arith.constant 384 : i32
    %add3A_74 = arith.addi %mul3A_2, %add3A_73 : i32
    "tpu.region"() ({
      %run_scoped3A = tpu.sem_alloc : memref<!tpu.dma_semaphore, #tpu.memory_space<semaphore_mem>>
      %dma_start3A_79 = arith.constant 0 : i32
      %dma_start3A_80 = tpu.memref_slice %arg5[%add3A_74, %dma_start3A_79] : memref<16384x128xf32, #tpu.memory_space<hbm>> -> memref<128x128xf32, #tpu.memory_space<hbm>>
      %dma_start3A_81 = arith.constant 0 : i32
      %dma_start3A_82 = tpu.memref_slice %arg5[%add3A_74, %dma_start3A_81] : memref<16384x128xf32, #tpu.memory_space<hbm>> -> memref<128x128xf32, #tpu.memory_space<hbm>>
      tpu.enqueue_dma source(%arg10 : memref<128x128xf32, #tpu.memory_space<vmem>>) target(%dma_start3A_82 : memref<128x128xf32, #tpu.memory_space<hbm>>) target_semaphore(%run_scoped3A : memref<!tpu.dma_semaphore, #tpu.memory_space<semaphore_mem>>)
      %dma_wait3A_83 = arith.constant 0 : i32
      %dma_wait3A_84 = tpu.memref_slice %arg5[%add3A_74, %dma_wait3A_83] : memref<16384x128xf32, #tpu.memory_space<hbm>> -> memref<128x128xf32, #tpu.memory_space<hbm>>
      %dma_wait3A_85 = arith.constant 0 : i32
      %dma_wait3A_86 = tpu.memref_slice %arg5[%add3A_74, %dma_wait3A_85] : memref<16384x128xf32, #tpu.memory_space<hbm>> -> memref<128x128xf32, #tpu.memory_space<hbm>>
      tpu.wait_dma2 semaphore(%run_scoped3A : memref<!tpu.dma_semaphore, #tpu.memory_space<semaphore_mem>>) src(%arg10 : memref<128x128xf32, #tpu.memory_space<vmem>>) dst(%dma_wait3A_86 : memref<128x128xf32, #tpu.memory_space<hbm>>)
      tpu.yield
    }) : () -> ()
    %dma_wait3A_75 = arith.constant 0 : i32
    %dma_wait3A_76 = tpu.memref_slice %arg6[%mul3A_2, %dma_wait3A_75] : memref<16384x128xf32, #tpu.memory_space<hbm>> -> memref<512x128xf32, #tpu.memory_space<hbm>>
    %dma_wait3A_77 = arith.constant 0 : i32
    %dma_wait3A_78 = tpu.memref_slice %arg6[%mul3A_2, %dma_wait3A_77] : memref<16384x128xf32, #tpu.memory_space<hbm>> -> memref<512x128xf32, #tpu.memory_space<hbm>>
    tpu.wait_dma2 semaphore(%arg15 : memref<!tpu.dma_semaphore, #tpu.memory_space<semaphore_mem>>) src(%arg11 : memref<512x128xf32, #tpu.memory_space<vmem>>) dst(%dma_wait3A_78 : memref<512x128xf32, #tpu.memory_space<hbm>>)
    return
  }
}

module attributes {stable_mosaic.version = 14 : i64} {
  func.func @_mlp_body(%arg0: i32, %arg1: memref<2048x128xf32, #tpu.memory_space<vmem>>, %arg2: memref<2048x128xf32, #tpu.memory_space<vmem>>, %arg3: memref<2048x2xf32, #tpu.memory_space<vmem>>, %arg4: memref<64x128xbf16, #tpu.memory_space<vmem>>, %arg5: memref<64x128xbf16, #tpu.memory_space<vmem>>, %arg6: memref<2x128xf32, #tpu.memory_space<vmem>>, %arg7: memref<1x128xf32, #tpu.memory_space<vmem>>, %arg8: memref<512x256xbf16, #tpu.memory_space<vmem>>, %arg9: memref<1x256xf32, #tpu.memory_space<vmem>>, %arg10: memref<256x128xbf16, #tpu.memory_space<vmem>>, %arg11: memref<1x128xf32, #tpu.memory_space<vmem>>, %arg12: memref<2048x128xf32, #tpu.memory_space<vmem>>) attributes {dimension_semantics = [#tpu.dimension_semantics<arbitrary>], iteration_bounds = array<i64: 8>, scalar_prefetch = 0 : i64, scratch_operands = 0 : i64, tpu.core_type = #tpu.core_type<tc>, window_params = [{transform_indices = @transform_0, window_bounds = array<i64: 2048, 128>}, {transform_indices = @transform_1, window_bounds = array<i64: 2048, 128>}, {transform_indices = @transform_2, window_bounds = array<i64: 2048, 2>}, {pipeline_mode = #tpu.pipeline_mode<synchronous>, transform_indices = @transform_3, window_bounds = array<i64: 64, 128>}, {pipeline_mode = #tpu.pipeline_mode<synchronous>, transform_indices = @transform_4, window_bounds = array<i64: 64, 128>}, {pipeline_mode = #tpu.pipeline_mode<synchronous>, transform_indices = @transform_5, window_bounds = array<i64: 2, 128>}, {pipeline_mode = #tpu.pipeline_mode<synchronous>, transform_indices = @transform_6, window_bounds = array<i64: 1, 128>}, {pipeline_mode = #tpu.pipeline_mode<synchronous>, transform_indices = @transform_7, window_bounds = array<i64: 512, 256>}, {pipeline_mode = #tpu.pipeline_mode<synchronous>, transform_indices = @transform_8, window_bounds = array<i64: 1, 256>}, {pipeline_mode = #tpu.pipeline_mode<synchronous>, transform_indices = @transform_9, window_bounds = array<i64: 256, 128>}, {pipeline_mode = #tpu.pipeline_mode<synchronous>, transform_indices = @transform_10, window_bounds = array<i64: 1, 128>}, {transform_indices = @transform_11, window_bounds = array<i64: 2048, 128>}]} {
    %get3A = arith.constant 0 : index
    %get3A_0 = arith.constant 0 : index
    %get3A_1 = vector.load %arg3[%get3A, %get3A_0] : memref<2048x2xf32, #tpu.memory_space<vmem>>, vector<2048x2xf32>
    %slice3A = vector.extract_strided_slice %get3A_1 {offsets = [0, 0], sizes = [2048, 1], strides = [1, 1]} : vector<2048x2xf32> to vector<2048x1xf32>
    %get3A_2 = arith.constant 0 : index
    %get3A_3 = arith.constant 0 : index
    %get3A_4 = vector.load %arg6[%get3A_2, %get3A_3] : memref<2x128xf32, #tpu.memory_space<vmem>>, vector<1x128xf32>
    %mul3A = vector.broadcast %slice3A : vector<2048x1xf32> to vector<2048x128xf32>
    %mul3A_5 = vector.broadcast %get3A_4 : vector<1x128xf32> to vector<2048x128xf32>
    %mul3A_6 = arith.mulf %mul3A, %mul3A_5 : vector<2048x128xf32>
    %slice3A_7 = vector.extract_strided_slice %get3A_1 {offsets = [0, 1], sizes = [2048, 1], strides = [1, 1]} : vector<2048x2xf32> to vector<2048x1xf32>
    %get3A_8 = arith.constant 1 : index
    %get3A_9 = arith.constant 0 : index
    %get3A_10 = vector.load %arg6[%get3A_8, %get3A_9] : memref<2x128xf32, #tpu.memory_space<vmem>>, vector<1x128xf32>
    %mul3A_11 = vector.broadcast %slice3A_7 : vector<2048x1xf32> to vector<2048x128xf32>
    %mul3A_12 = vector.broadcast %get3A_10 : vector<1x128xf32> to vector<2048x128xf32>
    %mul3A_13 = arith.mulf %mul3A_11, %mul3A_12 : vector<2048x128xf32>
    %add3A = arith.addf %mul3A_6, %mul3A_13 : vector<2048x128xf32>
    %get3A_14 = arith.constant 0 : index
    %get3A_15 = arith.constant 0 : index
    %get3A_16 = vector.load %arg7[%get3A_14, %get3A_15] : memref<1x128xf32, #tpu.memory_space<vmem>>, vector<1x128xf32>
    %add3A_17 = vector.broadcast %get3A_16 : vector<1x128xf32> to vector<2048x128xf32>
    %add3A_18 = arith.addf %add3A, %add3A_17 : vector<2048x128xf32>
    %get3A_19 = arith.constant 0 : index
    %get3A_20 = arith.constant 0 : index
    %get3A_21 = vector.load %arg2[%get3A_19, %get3A_20] : memref<2048x128xf32, #tpu.memory_space<vmem>>, vector<2048x128xf32>
    %convert_element_type3A = arith.truncf %get3A_21 : vector<2048x128xf32> to vector<2048x128xbf16>
    %slice3A_22 = vector.extract_strided_slice %convert_element_type3A {offsets = [0, 0], sizes = [2048, 64], strides = [1, 1]} : vector<2048x128xbf16> to vector<2048x64xbf16>
    %get3A_23 = arith.constant 0 : index
    %get3A_24 = arith.constant 0 : index
    %get3A_25 = vector.load %arg4[%get3A_23, %get3A_24] : memref<64x128xbf16, #tpu.memory_space<vmem>>, vector<64x128xbf16>
    %dot_general3A = arith.constant dense<0.000000e+00> : vector<2048x128xf32>
    %dot_general3A_26 = tpu.matmul %slice3A_22, %get3A_25, %dot_general3A {dimension_numbers = #tpu.dot_dimension_numbers<[1], [0], [0], [1], [0, 0, 1, 1], [], []>, transpose_lhs_hint = false} : vector<2048x64xbf16>, vector<64x128xbf16>, vector<2048x128xf32> -> vector<2048x128xf32>
    %mul3A_27 = arith.constant 5.000000e-02 : f32
    %mul3A_28 = vector.broadcast %mul3A_27 : f32 to vector<2048x128xf32>
    %mul3A_29 = arith.mulf %dot_general3A_26, %mul3A_28 : vector<2048x128xf32>
    %slice3A_30 = vector.extract_strided_slice %convert_element_type3A {offsets = [0, 64], sizes = [2048, 64], strides = [1, 1]} : vector<2048x128xbf16> to vector<2048x64xbf16>
    %get3A_31 = arith.constant 0 : index
    %get3A_32 = arith.constant 0 : index
    %get3A_33 = vector.load %arg5[%get3A_31, %get3A_32] : memref<64x128xbf16, #tpu.memory_space<vmem>>, vector<64x128xbf16>
    %dot_general3A_34 = arith.constant dense<0.000000e+00> : vector<2048x128xf32>
    %dot_general3A_35 = tpu.matmul %slice3A_30, %get3A_33, %dot_general3A_34 {dimension_numbers = #tpu.dot_dimension_numbers<[1], [0], [0], [1], [0, 0, 1, 1], [], []>, transpose_lhs_hint = false} : vector<2048x64xbf16>, vector<64x128xbf16>, vector<2048x128xf32> -> vector<2048x128xf32>
    %mul3A_36 = arith.constant 5.000000e-02 : f32
    %mul3A_37 = vector.broadcast %mul3A_36 : f32 to vector<2048x128xf32>
    %mul3A_38 = arith.mulf %dot_general3A_35, %mul3A_37 : vector<2048x128xf32>
    %get3A_39 = arith.constant 0 : index
    %get3A_40 = arith.constant 0 : index
    %get3A_41 = vector.load %arg1[%get3A_39, %get3A_40] : memref<2048x128xf32, #tpu.memory_space<vmem>>, vector<2048x128xf32>
    %concatenate3A = tpu.concatenate %get3A_41, %add3A_18, %mul3A_29, %mul3A_38 in 1 : vector<2048x128xf32>, vector<2048x128xf32>, vector<2048x128xf32>, vector<2048x128xf32> -> vector<2048x512xf32>
    %convert_element_type3A_42 = arith.truncf %concatenate3A : vector<2048x512xf32> to vector<2048x512xbf16>
    %get3A_43 = arith.constant 0 : index
    %get3A_44 = arith.constant 0 : index
    %get3A_45 = vector.load %arg8[%get3A_43, %get3A_44] : memref<512x256xbf16, #tpu.memory_space<vmem>>, vector<512x256xbf16>
    %dot_general3A_46 = arith.constant dense<0.000000e+00> : vector<2048x256xf32>
    %dot_general3A_47 = tpu.matmul %convert_element_type3A_42, %get3A_45, %dot_general3A_46 {dimension_numbers = #tpu.dot_dimension_numbers<[1], [0], [0], [1], [0, 0, 1, 1], [], []>, transpose_lhs_hint = false} : vector<2048x512xbf16>, vector<512x256xbf16>, vector<2048x256xf32> -> vector<2048x256xf32>
    %get3A_48 = arith.constant 0 : index
    %get3A_49 = arith.constant 0 : index
    %get3A_50 = vector.load %arg9[%get3A_48, %get3A_49] : memref<1x256xf32, #tpu.memory_space<vmem>>, vector<1x256xf32>
    %add3A_51 = vector.broadcast %get3A_50 : vector<1x256xf32> to vector<2048x256xf32>
    %add3A_52 = arith.addf %dot_general3A_47, %add3A_51 : vector<2048x256xf32>
    %max3A = arith.constant 0.000000e+00 : f32
    %max3A_53 = vector.broadcast %max3A : f32 to vector<2048x256xf32>
    %max3A_54 = arith.maximumf %add3A_52, %max3A_53 : vector<2048x256xf32>
    %convert_element_type3A_55 = arith.truncf %max3A_54 : vector<2048x256xf32> to vector<2048x256xbf16>
    %get3A_56 = arith.constant 0 : index
    %get3A_57 = arith.constant 0 : index
    %get3A_58 = vector.load %arg10[%get3A_56, %get3A_57] : memref<256x128xbf16, #tpu.memory_space<vmem>>, vector<256x128xbf16>
    %dot_general3A_59 = arith.constant dense<0.000000e+00> : vector<2048x128xf32>
    %dot_general3A_60 = tpu.matmul %convert_element_type3A_55, %get3A_58, %dot_general3A_59 {dimension_numbers = #tpu.dot_dimension_numbers<[1], [0], [0], [1], [0, 0, 1, 1], [], []>, transpose_lhs_hint = false} : vector<2048x256xbf16>, vector<256x128xbf16>, vector<2048x128xf32> -> vector<2048x128xf32>
    %get3A_61 = arith.constant 0 : index
    %get3A_62 = arith.constant 0 : index
    %get3A_63 = vector.load %arg11[%get3A_61, %get3A_62] : memref<1x128xf32, #tpu.memory_space<vmem>>, vector<1x128xf32>
    %add3A_64 = vector.broadcast %get3A_63 : vector<1x128xf32> to vector<2048x128xf32>
    %add3A_65 = arith.addf %dot_general3A_60, %add3A_64 : vector<2048x128xf32>
    %swap3A = arith.constant 0 : index
    %swap3A_66 = arith.constant 0 : index
    %swap3A_67 = vector.load %arg12[%swap3A, %swap3A_66] : memref<2048x128xf32, #tpu.memory_space<vmem>>, vector<2048x128xf32>
    tpu.vector_store %arg12[%swap3A, %swap3A_66], %add3A_65 {strides = array<i32>} : memref<2048x128xf32, #tpu.memory_space<vmem>>, vector<2048x128xf32>,
    return
  }
  func.func @transform_0(%arg0: i32) -> (i32, i32) {
    %c0_i32 = arith.constant 0 : i32
    %c0_i32_0 = arith.constant 0 : i32
    return %arg0, %c0_i32 : i32, i32
  }
  func.func @transform_1(%arg0: i32) -> (i32, i32) {
    %c0_i32 = arith.constant 0 : i32
    %c0_i32_0 = arith.constant 0 : i32
    return %arg0, %c0_i32 : i32, i32
  }
  func.func @transform_2(%arg0: i32) -> (i32, i32) {
    %c0_i32 = arith.constant 0 : i32
    %c0_i32_0 = arith.constant 0 : i32
    return %arg0, %c0_i32 : i32, i32
  }
  func.func @transform_3(%arg0: i32) -> (i32, i32) {
    %c0_i32 = arith.constant 0 : i32
    %c0_i32_0 = arith.constant 0 : i32
    %c0_i32_1 = arith.constant 0 : i32
    return %c0_i32, %c0_i32_0 : i32, i32
  }
  func.func @transform_4(%arg0: i32) -> (i32, i32) {
    %c0_i32 = arith.constant 0 : i32
    %c0_i32_0 = arith.constant 0 : i32
    %c0_i32_1 = arith.constant 0 : i32
    return %c0_i32, %c0_i32_0 : i32, i32
  }
  func.func @transform_5(%arg0: i32) -> (i32, i32) {
    %c0_i32 = arith.constant 0 : i32
    %c0_i32_0 = arith.constant 0 : i32
    %c0_i32_1 = arith.constant 0 : i32
    return %c0_i32, %c0_i32_0 : i32, i32
  }
  func.func @transform_6(%arg0: i32) -> (i32, i32) {
    %c0_i32 = arith.constant 0 : i32
    %c0_i32_0 = arith.constant 0 : i32
    %c0_i32_1 = arith.constant 0 : i32
    return %c0_i32, %c0_i32_0 : i32, i32
  }
  func.func @transform_7(%arg0: i32) -> (i32, i32) {
    %c0_i32 = arith.constant 0 : i32
    %c0_i32_0 = arith.constant 0 : i32
    %c0_i32_1 = arith.constant 0 : i32
    return %c0_i32, %c0_i32_0 : i32, i32
  }
  func.func @transform_8(%arg0: i32) -> (i32, i32) {
    %c0_i32 = arith.constant 0 : i32
    %c0_i32_0 = arith.constant 0 : i32
    %c0_i32_1 = arith.constant 0 : i32
    return %c0_i32, %c0_i32_0 : i32, i32
  }
  func.func @transform_9(%arg0: i32) -> (i32, i32) {
    %c0_i32 = arith.constant 0 : i32
    %c0_i32_0 = arith.constant 0 : i32
    %c0_i32_1 = arith.constant 0 : i32
    return %c0_i32, %c0_i32_0 : i32, i32
  }
  func.func @transform_10(%arg0: i32) -> (i32, i32) {
    %c0_i32 = arith.constant 0 : i32
    %c0_i32_0 = arith.constant 0 : i32
    %c0_i32_1 = arith.constant 0 : i32
    return %c0_i32, %c0_i32_0 : i32, i32
  }
  func.func @transform_11(%arg0: i32) -> (i32, i32) {
    %add3A = arith.constant 0 : i32
    %add3A_0 = arith.addi %add3A, %arg0 : i32
    %c0_i32 = arith.constant 0 : i32
    %c0_i32_1 = arith.constant 0 : i32
    return %add3A_0, %c0_i32 : i32, i32
  }
}

</mosaic_0001>

<sc_bundles>
// kernel: kernel.4.cloned.1.call-start
scs
__scs_entry_jumppad:
0x0: {  	(pc) =	sbr.rel $0x88, $3  }
0x1: {  	(tag) =	ssettag $0x0;
	lr =	simm.s32 $0x1  }
0x2: {  	[smem:$0x3F94] =	sst lr;
	_ =	strace $0xD0000000  }
0x3: {  	_ = 	snop  }
0x4: {  	_ = 	snop  }
0x5: {  	_ = 	snop  }
0x6: {  	_ = 	snop  }
0x7: {  	_ = 	snop  }
__scs_overlays_trampoline_lowered:
0x8: {  	[smem:$0x3FA3] =	sst s0  }
0x9: {  	[smem:$0x3FA4] =	sst s1  }
0xa: {  	[smem:$0x3FA5] =	sst s2  }
0xb: {  	[smem:$0x3FA6] =	sst s3  }
0xc: {  	[smem:$0x3FA7] =	sst s4  }
0xd: {  	[smem:$0x3FA8] =	sst s5  }
0xe: {  	[smem:$0x3FA9] =	sst s6  }
0xf: {  	[smem:$0x3FAA] =	sst s7  }
0x10: {  	[smem:$0x3FAB] =	sst s8  }
0x11: {  	[smem:$0x3FAC] =	sst s9;
	s0 =	simm.s32 @!p0 $0x0  }
0x12: {  	s1 =	sld [smem:$0x3F92];
	s0 =	simm.s32 @p0 $0x1  }
0x13: {  	[smem:$0x3FAD] =	sst s0;
	s0 =	simm.s32 @!p1 $0x0  }
0x14: {  	s2 =	sld [smem:$0x3F91];
	s0 =	simm.s32 @p1 $0x1  }
0x15: {  	[smem:$0x3FAE] =	sst s0;
	s0 =	simm.s32 @!p2 $0x0  }
0x16: {  	s3 =	sld [smem:$0x3FDB];
	s0 =	simm.s32 @p2 $0x1  }
0x17: {  	s4 =	simm.s32 $0x1BF5;
	[smem:$0x3FB0] =	sst s0  }
0x18: {  	s0 =	sld [smem:$0x3F93];
	_ =	swait.ge [sflag:s4], $0x0  }
0x19: {  	s7 =	sld [smem:$0x3F94]  }
0x1a: {  	s8 =	sadd.s32 $0xFFFFE003, lr  }
0x1b: {  	s9 =	sadd.s32 $0xFFFFFEF7, lr;
	s5 =	simm.s32 $0xFFFFFFFF;
	p2 =	slt.u32 s8, $0xFFFFF086  }
0x1c: {  	p1 =	slt.u32 s9, $0xF7A;
	s5 =	simm.s32 @!p2 $0x0  }
0x1d: {  	s5 =	simm.s32 @p1 $0x1;
	p0 =	seq.s32 s7, s2  }
0x1e: {  	s7 =	smul.u32 @!p0 $0xF7A, s2;
	p2 =	seq.s32 @!p0 s5, $0x0  }
0x1f: {  	s9 =	smul.u32 $0xF7A, s1;
	s8 =	simm.s32 @!p0 $0x1BF5;
	p2 =	por !p2, p0  }
0x20: {  	[sflag:s8] =	ssyncset.s32 @!p0 $0xFFFFF086;
	s6 =	sadd.s32 @!p0 s3, s7;
	s7 =	simm.s32 @!p0 $0x108  }
0x21: {  	s3 =	sadd.s32 s3, s9;
	s6 =	sadd.s32 @!p0 $0x88, s6;
	s7 =	simm.s32 @p2 $0x1082  }
0x22: {  	[simem:s7], [sflag:s8] =	dma.local @!p0 [hbm:s6], $0xF7A  }
0x23: {  	s9 =	sor.u32 $0xD0000000, s2;
	s6 =	simm.s32 $0x108;
	_ =	swait.ge @!p0 [sflag:s8], $0x0  }
0x24: {  	s3 =	sadd.s32 $0x88, s3;
	s6 =	simm.s32 @!p1 $0x1082;
	[sflag:s4] =	ssyncset.s32 $0xFFFFF086  }
0x25: {  	[simem:s6], [sflag:s4] =	dma.local [hbm:s3], $0xF7A  }
0x26: {  	[smem:$0x3F94] =	sst s1;
	(tag) =	ssettag s2;
	_ =	strace s9  }
0x27: {  	s1 =	sld [smem:$0x3FA4]  }
0x28: {  	s2 =	sld [smem:$0x3FA5]  }
0x29: {  	s4 =	sld [smem:$0x3FA7]  }
0x2a: {  	p0 =	seq.s32 s5, $0x0;
	s5 =	sld [smem:$0x3FA8]  }
0x2b: {  	s6 =	sld [smem:$0x3FA9]  }
0x2c: {  	s7 =	sld [smem:$0x3FAA]  }
0x2d: {  	s3 =	simm.s32 $0x108;
	s8 =	sld [smem:$0x3FAB]  }
0x2e: {  	s3 =	simm.s32 @!p0 $0x1082;
	s9 =	sld [smem:$0x3FAC]  }
0x2f: {  	lr =	sadd.s32 s0, s3;
	s0 =	sld [smem:$0x3FA3]  }
0x30: {  	s3 =	sld [smem:$0x3FA6]  }
0x31: {  	[smem:$0x3FAF] =	sst s10  }
0x32: {  	s10 =	sld [smem:$0x3FAD];
	_ =	sdelay $0x3  }
0x33: {  	p0 =	seq.s32 s10, $0x1;
	s10 =	sld [smem:$0x3FAF];
	_ =	sdelay $0x3  }
0x34: {  	[smem:$0x3FAF] =	sst s10  }
0x35: {  	s10 =	sld [smem:$0x3FAE];
	_ =	sdelay $0x3  }
0x36: {  	p1 =	seq.s32 s10, $0x1;
	s10 =	sld [smem:$0x3FAF];
	_ =	sdelay $0x3  }
0x37: {  	[smem:$0x3FAF] =	sst s10  }
0x38: {  	s10 =	sld [smem:$0x3FB0]  }
0x39: {  	_ = 	snop;
	(pc) =	sbr.ind lr, $3  }
0x3a: {  	_ = 	snop  }
0x3b: {  	_ = 	snop  }
0x3c: {  	p2 =	seq.s32 s10, $0x1;
	s10 =	sld [smem:$0x3FAF]  }
0x3d: {  	_ =	shalt  }
0x3e: {  	_ =	shalt  }
0x3f: {  	_ =	shalt  }
0x40: {  	_ =	shalt  }
0x41: {  	_ =	shalt  }
0x42: {  	_ =	shalt  }
0x43: {  	_ =	shalt  }
0x44: {  	_ =	shalt  }
0x45: {  	_ =	shalt  }
0x46: {  	_ =	shalt  }
0x47: {  	_ =	shalt  }
0x48: {  	_ =	shalt  }
0x49: {  	_ =	shalt  }
0x4a: {  	_ =	shalt  }
0x4b: {  	_ =	shalt  }
0x4c: {  	_ =	shalt  }
0x4d: {  	_ =	shalt  }
0x4e: {  	_ =	shalt  }
0x4f: {  	_ =	shalt  }
0x50: {  	_ =	shalt  }
0x51: {  	_ =	shalt  }
0x52: {  	_ =	shalt  }
0x53: {  	_ =	shalt  }
0x54: {  	_ =	shalt  }
0x55: {  	_ =	shalt  }
0x56: {  	_ =	shalt  }
0x57: {  	_ =	shalt  }
0x58: {  	_ =	shalt  }
0x59: {  	_ =	shalt  }
0x5a: {  	_ =	shalt  }
0x5b: {  	_ =	shalt  }
0x5c: {  	_ =	shalt  }
0x5d: {  	_ =	shalt  }
0x5e: {  	_ =	shalt  }
0x5f: {  	_ =	shalt  }
0x60: {  	_ =	shalt  }
0x61: {  	_ =	shalt  }
0x62: {  	_ =	shalt  }
0x63: {  	_ =	shalt  }
0x64: {  	_ =	shalt  }
0x65: {  	_ =	shalt  }
0x66: {  	_ =	shalt  }
0x67: {  	_ =	shalt  }
0x68: {  	_ =	shalt  }
0x69: {  	_ =	shalt  }
0x6a: {  	_ =	shalt  }
0x6b: {  	_ =	shalt  }
0x6c: {  	_ =	shalt  }
0x6d: {  	_ =	shalt  }
0x6e: {  	_ =	shalt  }
0x6f: {  	_ =	shalt  }
0x70: {  	_ =	shalt  }
0x71: {  	_ =	shalt  }
0x72: {  	_ =	shalt  }
0x73: {  	_ =	shalt  }
0x74: {  	_ =	shalt  }
0x75: {  	_ =	shalt  }
0x76: {  	_ =	shalt  }
0x77: {  	_ =	shalt  }
0x78: {  	_ =	shalt  }
0x79: {  	_ =	shalt  }
0x7a: {  	_ =	shalt  }
0x7b: {  	_ =	shalt  }
0x7c: {  	_ =	shalt  }
0x7d: {  	_ =	shalt  }
0x7e: {  	_ =	shalt  }
0x7f: {  	_ =	shalt  }
0x80: {  	_ =	shalt  }
0x81: {  	_ =	shalt  }
0x82: {  	_ =	shalt  }
0x83: {  	_ =	shalt  }
0x84: {  	_ =	shalt  }
0x85: {  	_ =	shalt  }
0x86: {  	_ =	shalt  }
0x87: {  	_ =	shalt  }
.Lfunc_end0:
.L_simem_size_0:
called_computation_lowered:
.L_overlay_start_0:
0x88: {  	s2 =	sld [smem:$0x3FD9]  }
0x89: {  	s3 =	sld [smem:$0x3FFE];
	_ =	sdelay $0x1  }
0x8a: {  	s1 =	srdreg.scid  }
0x8b: {  	s0 =	sand.u32 $0x1, s1  }
0x8c: {  	s17 =	sshll.u32 s0, $0xA;
	s2 =	sadd.s32 s3, s2  }
0x8d: {  	s2 =	sadd.s32 s2, s17  }
0x8e: {  	[smem:$0x3FBB] =	sst s2  }
0x8f: {  	_ = 	snop  }
0x90: {  	s2 =	sld [smem:$0x3FC9]  }
0x91: {  	s18 =	sld [smem:$0x3FC5]  }
0x92: {  	s4 =	sld [smem:$0x3FD0];
	(tm) =	ssettm $0x1  }
0x93: {  	s5 =	sld [smem:$0x3FFB];
	_ =	sdelay $0x3  }
0x94: {  	_ =	strace s5  }
0x95: {  	s5 =	sld [smem:$0x3FFC];
	_ =	sdelay $0x3  }
0x96: {  	_ =	strace s5  }
0x97: {  	s5 =	sld [smem:$0x3FFD];
	_ =	sdelay $0x3  }
0x98: {  	_ =	strace s5  }
0x99: {  	_ =	strace $0x8FFFFFFF  }
0x9a: {  	s19 =	sld [smem:$0x3FDB];
	_ =	sdelay $0x1  }
0x9b: {  	s6 =	simm.s32 $_scs_section_size  }
0x9c: {  	s7 =	simm.s32 $_size__tile_overlayer_lowered;
	s8 =	simm.s32 $_tile_overlayer_lowered  }
0x9d: {  	s22 =	simm.s32 $0x1BFF;
	s21 =	sshll.u32 s8, $0x1;
	s5 =	sadd.s32 s6, s19  }
0x9e: {  	s9 =	simm.s32 $0x0;
	s20 =	sshll.u32 s7, $0x1;
	s7 =	sadd.s32 s21, s5  }
0x9f: {  	[timem:s9], [sflag:s22] =	dma.local [hbm:s7], s20  }
0xa0: {  	_ =	swait.ge [sflag:s22], s20  }
0xa1: {  	s6 =	ssub.s32 $0x0, s20;
	[sflag:s22] =	ssyncset.done $0x0  }
0xa2: {  	[sflag:s22] =	ssyncadd.s32 s6;
	_ =	sdelay $0x1  }
0xa3: {  	s23 =	simm.s32 $0x1B8B  }
0xa4: {  	_ =	swait.ge [sflag:s23], $0x1  }
0xa5: {  	[sflag:s23] =	ssyncset.done $0x0  }
0xa6: {  	s25 =	simm.s32 $0x1B8E;
	s24 =	sld [smem:$0x3FFE];
	[sflag:s23] =	ssyncadd.s32 $0xFFFFFFFF  }
0xa7: {  	s26 =	simm.s32 $execute0_lowered;
	[smem:$0x3FD2] =	sst s25  }
0xa8: {  	s7 =	sshll.u32 s26, $0x1;
	_ =	strace $0x80000046;
	[dreg:$0x1] =	wrdreg $0xFFFFFFFF  }
0xa9: {  	s28 =	simm.s32 $_size_execute0_lowered;
	s5 =	sadd.s32 s5, s7;
	[dreg:$0x0] =	wrdreg $0x0  }
0xaa: {  	s7 =	sshll.u32 s28, $0x1;
	[dreg:$0x2] =	wrdreg s5  }
0xab: {  	[dreg:$0x3] =	wrdreg s7  }
0xac: {  	[dreg:$0x4] =	wrdreg $0xC0  }
0xad: {  	_ =	task [dreg:s9], $0x5FFFF  }
0xae: {  	[dreg:$0x1] =	wrdreg $0xFFFFFFFF  }
0xaf: {  	[dreg:$0x0] =	wrdreg $0x60  }
0xb0: {  	[dreg:$0x2] =	wrdreg s18  }
0xb1: {  	[dreg:$0x3] =	wrdreg s2  }
0xb2: {  	[dreg:$0x4] =	wrdreg s24  }
0xb3: {  	[dreg:$0x5] =	wrdreg s4  }
0xb4: {  	[dreg:$0x6] =	wrdreg $0x9  }
0xb5: {  	_ =	task.clear_ibuf [dreg:s9], $0x7FFFF;
	_ =	strace $0x90000046  }
0xb6: {  	s29 =	simm.s32 $0x9;
	_ =	strace $0x80000048  }
0xb7: {  	_ =	swait.ge [sflag:s29], $0x1  }
0xb8: {  	[sflag:s29] =	ssyncadd.s32 $0xFFFFFFFF  }
0xb9: {  	_ =	strace $0x90000048  }
0xba: {  	_ =	sfence  }
0xbb: {  	s30 =	sld [smem:$0x0];
	_ =	sdelay $0x2  }
0xbc: {  	s31 =	sshll.u32 s1, $0xD;
	s1 =	sshrl.u32 s1, $0x2  }
0xbd: {  	s3 =	sand.u32 $0x4000, s31;
	s1 =	sadd.s32 s1, s30  }
0xbe: {  	s0 =	sor.u32 s3, s0;
	s1 =	sshll.u32 s1, $0x11  }
0xbf: {  	s0 =	sor.u32 s1, s0  }
0xc0: {  	s0 =	sadd.s32 $0x8F2B, s0  }
0xc1: {  	[sflag:s0] =	ssyncadd.remote.s32 $0x1  }
0xc2: {  	_ =	sfence.sel $0xFFFF  }
0xc3: {  	[dreg:$0x0] =	wrdreg $0xFFFFFFFF;
	(pc) =	sbr.abs _section_cstart, $3  }
0xc4: {  	[dreg:$0x1] =	wrdreg $0xFFFFFFFF  }
0xc5: {  	_ =	task.clear_ibuf [dreg:s9], $0x2FFFF;
	_ =	strace $0x9FFFFFFF  }
0xc6: {  	(tm) =	ssettm $0x7FFFFFFF  }
0xc7: {  	_ =	shalt  }
tec
execute0_lowered:
.L_overlay_start_1:
0x0: {  	(tag) =	ssettag $0x1  }
0x1: {  	s1 =	rddreg [dreg:$0x0]  }
0x2: {  	s5 =	rddreg [dreg:$0x1]  }
0x3: {  	s4 =	rddreg [dreg:$0x2]  }
0x4: {  	s2 =	srdreg.scid;
	s0 =	stileid.u32  }
0x5: {  	s6 =	rddreg [dreg:$0x3];
	s3 =	simm.s32 $0x0;
	s13 =	simm.s32 $0x5  }
0x6: {  	s14 =	simm.s32 $0x80;
	s15 =	simm.s32 $0x5200;
	s16 =	simm.s32 $0x9200  }
0x7: {  	s17 =	simm.s32 $0x1;
	s18 =	simm.s32 $0xD200;
	s19 =	simm.s32 $0x2  }
0x8: {  	s21 =	simm.s32 $0x3;
	s23 =	simm.s32 $0x4;
	s24 =	simm.s32 $0x0  }
0x9: {  	s7 =	sand.u32 $0x1, s2;
	s8 =	sshll.u32 s0, $0x1;
	[smem:$0x7FF] =	sst s3  }
0xa: {  	s8 =	sor.u32 s7, s8;
	_ =	strace $0x80000047;
	s7 =	ssub.s32 $0x2, s7  }
0xb: {  	s9 =	smul.u32 $0xA00, s8;
	s10 =	sshll.u32 s8, $0xD;
	s11 =	sshrl.u32 s7, $0x1  }
0xc: {  	s31 =	sshll.u32 s8, $0x6;
	s12 =	sadd.s32 s10, s4;
	s11 =	ssub.s32 s7, s11  }
0xd: {  	s5 =	sadd.s32 s5, s31;
	s6 =	sadd.s32 s6, s10;
	s9 =	sadd.s32 s9, s4  }
0xe: {  	v1 =	vlaneseq.u32;
	s7 =	sadd.s32 $0x16000, s12;
	s8 =	sadd.s32 $0x800, s6;
	s10 =	sadd.s32 $0x1800, s6  }
0xf: {  	v0 =	vimm.f32 $0.0e+00;
	v2 =	vimm.f32 $1.000000000e+00;
	v1 =	vmul.u32 $0x80, v1;
	s11 =	smax.u32 s11, $0x1;
	s4 =	sadd.s32 $0x2000, s9;
	s9 =	sadd.s32 $0x1000, s6  }
.LBB2_1:
0x10: {  	s0 =	simm.s32 $0x200  }
0x11: {  	[tilespmem:s0], [sflag:$0x1] =	stream.linear.gather [hbm4b:s4+s3], $0x5000, $0x38;
	[tilespmem:$0x1D200] =	vst v63  }
0x12: {  	_ = 	snop  }
0x13: {  	[tilespmem:s3], [sflag:$0x5] =	stream.linear.gather [hbm4b:s5+s3], $0x200, $0x38;
	[tilespmem:$0x1D200] =	vst v63  }
0x14: {  	_ =	swait.ge [sflag:s13], $0x200  }
0x15: {  	[sflag:s13] =	ssyncset.done $0x0  }
0x16: {  	[sflag:s13] =	ssyncadd.s32 $0xFFFFFE00  }
0x17: {  	[tilespmem:s15], [sflag:$0x2] =	stream.indirect.gather [hbm4b:s1+s14], $0x80, s3, s14, $0xb8;
	[tilespmem:$0x1D200] =	vst v63  }
0x18: {  	s25 =	simm.s32 $0xD300  }
0x19: {  	[tilespmem:s16], [sflag:$0x3] =	stream.indirect.gather [hbm4b:s1+s14], $0x80, s14, s14, $0xb8;
	[tilespmem:$0x1D200] =	vst v63  }
0x1a: {  	[tilespmem:s25+$0xFFFFFF00] =	vst v0  }
0x1b: {  	[tilespmem:s25+$0xF0] =	vst v0  }
0x1c: {  	[tilespmem:s25+$0xE0] =	vst v0  }
0x1d: {  	[tilespmem:s25+$0xD0] =	vst v0  }
0x1e: {  	[tilespmem:s25+$0xC0] =	vst v0  }
0x1f: {  	[tilespmem:s25+$0xB0] =	vst v0  }
0x20: {  	[tilespmem:s25+$0xA0] =	vst v0  }
0x21: {  	[tilespmem:s25+$0x90] =	vst v0  }
0x22: {  	[tilespmem:s25+$0x80] =	vst v0  }
0x23: {  	[tilespmem:s25+$0x70] =	vst v0  }
0x24: {  	[tilespmem:s25+$0x60] =	vst v0  }
0x25: {  	[tilespmem:s25+$0x50] =	vst v0  }
0x26: {  	[tilespmem:s25+$0x40] =	vst v0  }
0x27: {  	[tilespmem:s25+$0x30] =	vst v0  }
0x28: {  	[tilespmem:s25+$0x20] =	vst v0  }
0x29: {  	[tilespmem:s25+$0x10] =	vst v0  }
0x2a: {  	[tilespmem:s25+$0x0] =	vst v0  }
0x2b: {  	[tilespmem:s25+$0xFFFFFFF0] =	vst v0  }
0x2c: {  	[tilespmem:s25+$0xFFFFFFE0] =	vst v0  }
0x2d: {  	[tilespmem:s25+$0xFFFFFFD0] =	vst v0  }
0x2e: {  	[tilespmem:s25+$0xFFFFFFC0] =	vst v0  }
0x2f: {  	[tilespmem:s25+$0xFFFFFFB0] =	vst v0  }
0x30: {  	[tilespmem:s25+$0xFFFFFFA0] =	vst v0  }
0x31: {  	[tilespmem:s25+$0xFFFFFF90] =	vst v0  }
0x32: {  	[tilespmem:s25+$0xFFFFFF80] =	vst v0  }
0x33: {  	[tilespmem:s25+$0xFFFFFF70] =	vst v0  }
0x34: {  	[tilespmem:s25+$0xFFFFFF60] =	vst v0  }
0x35: {  	[tilespmem:s25+$0xFFFFFF50] =	vst v0  }
0x36: {  	[tilespmem:s25+$0xFFFFFF40] =	vst v0  }
0x37: {  	[tilespmem:s25+$0xFFFFFF30] =	vst v0  }
0x38: {  	s26 =	simm.s32 $0x0;
	[tilespmem:s25+$0xFFFFFF20] =	vst v0  }
.LBB2_2:
0x39: {  	s26 =	sadd.s32 $0x4, s26;
	[tilespmem:s25+$0xFFFFFF10] =	vst v0;
	s25 =	sadd.s32 $0x200, s25  }
0x3a: {  	[tilespmem:s25+$0xFFFFFF00] =	vst v0;
	p0 =	slt.u32 s26, $0x1FC  }
0x3b: {  	[tilespmem:s25+$0xF0] =	vst v0  }
0x3c: {  	[tilespmem:s25+$0xE0] =	vst v0  }
0x3d: {  	[tilespmem:s25+$0xD0] =	vst v0  }
0x3e: {  	[tilespmem:s25+$0xC0] =	vst v0  }
0x3f: {  	[tilespmem:s25+$0xB0] =	vst v0  }
0x40: {  	[tilespmem:s25+$0xA0] =	vst v0  }
0x41: {  	[tilespmem:s25+$0x90] =	vst v0  }
0x42: {  	[tilespmem:s25+$0x80] =	vst v0  }
0x43: {  	[tilespmem:s25+$0x70] =	vst v0  }
0x44: {  	[tilespmem:s25+$0x60] =	vst v0  }
0x45: {  	[tilespmem:s25+$0x50] =	vst v0  }
0x46: {  	[tilespmem:s25+$0x40] =	vst v0  }
0x47: {  	[tilespmem:s25+$0x30] =	vst v0  }
0x48: {  	[tilespmem:s25+$0x20] =	vst v0  }
0x49: {  	[tilespmem:s25+$0x10] =	vst v0  }
0x4a: {  	[tilespmem:s25+$0x0] =	vst v0  }
0x4b: {  	[tilespmem:s25+$0xFFFFFFF0] =	vst v0  }
0x4c: {  	[tilespmem:s25+$0xFFFFFFE0] =	vst v0  }
0x4d: {  	[tilespmem:s25+$0xFFFFFFD0] =	vst v0  }
0x4e: {  	[tilespmem:s25+$0xFFFFFFC0] =	vst v0  }
0x4f: {  	[tilespmem:s25+$0xFFFFFFB0] =	vst v0  }
0x50: {  	[tilespmem:s25+$0xFFFFFFA0] =	vst v0  }
0x51: {  	[tilespmem:s25+$0xFFFFFF90] =	vst v0  }
0x52: {  	[tilespmem:s25+$0xFFFFFF80] =	vst v0  }
0x53: {  	[tilespmem:s25+$0xFFFFFF70] =	vst v0  }
.Ltmp0:
0x54: {  	[tilespmem:s25+$0xFFFFFF60] =	vst v0;
	(pc) =	sbr.rel @p0 .LBB2_2-.Ltmp0, $4  }
0x55: {  	[tilespmem:s25+$0xFFFFFF50] =	vst v0  }
0x56: {  	[tilespmem:s25+$0xFFFFFF40] =	vst v0  }
0x57: {  	[tilespmem:s25+$0xFFFFFF30] =	vst v0  }
0x58: {  	[tilespmem:s25+$0xFFFFFF20] =	vst v0  }
0x59: {  	s26 =	simm.s32 $0x0  }
0x5a: {  	s28 =	sand.u32 $0x7000, s26  }
0x5b: {  	[tilespmem:s25+$0xFFFFFF10] =	vst v0;
	s29 =	sand.u32 $0xC00, s26;
	s22 =	sand.u32 $0x1C0, s26;
	s30 =	sand.u32 $0x380, s26  }
0x5c: {  	_ =	swait.ge [sflag:s17], $0x5000;
	s28 =	sor.u32 s29, s28;
	s29 =	sor.u32 $0x30, s22  }
0x5d: {  	[sflag:s17] =	ssyncset.done $0x0;
	s31 =	sor.u32 $0x10, s22;
	s28 =	sor.u32 s28, s30  }
0x5e: {  	v3 =	vmov s22;
	s25 =	sor.u32 $0x20, s22;
	s30 =	sand.u32 $0x70, s29;
	s28 =	sadd.s32 $0x200, s28  }
0x5f: {  	[sflag:s17] =	ssyncadd.s32 $0xFFFFB000;
	v3 =	vshll.u32 v3, $0x7;
	v5 =	vmov s25;
	s25 =	sand.u32 $0x60, s25;
	s30 =	sor.u32 s30, s28  }
0x60: {  	s2 =	sand.u32 $0x50, s31;
	v6 =	vor.u32 v1, v3;
	v3 =	vmov s31;
	s31 =	sor.u32 s25, s28;
	v4 =	vld [tilespmem:s30+$0x0]  }
0x61: {  	s26 =	sand.u32 $0x40, s26;
	v12 =	vld [tilespmem:s31+$0x0]  }
0x62: {  	v5 =	vshll.u32 v5, $0x7;
	s2 =	sor.u32 s2, s28;
	s26 =	sor.u32 s26, s28;
	s28 =	simm.s32 $0x40  }
0x63: {  	v8 =	vmov s29;
	v3 =	vshll.u32 v3, $0x7;
	v11 =	vor.u32 v1, v5;
	v7 =	vld [tilespmem:s2+$0x0];
	s29 =	sand.u32 $0x1C0, s28  }
0x64: {  	s25 =	simm.s32 $0x200;
	v10 =	vor.u32 v1, v3;
	v3 =	vshll.u32 v8, $0x7;
	v5 =	vmov s29  }
0x65: {  	v9 =	vld [tilespmem:s26+$0x0];
	s26 =	simm.s32 $0x10;
	s0 =	sand.u32 $0x7000, s28;
	s30 =	sand.u32 $0xC00, s25;
	v3 =	vor.u32 v1, v3;
	v5 =	vshll.u32 v5, $0x7  }
0x66: {  	s12 =	sand.u32 $0x380, s26;
	s2 =	sor.u32 s30, s0;
	v8 =	vand.u32 $0xFFFFFF80, v4;
	v4 =	vand.u32 $0x7F, v4;
	v15 =	vand.u32 $0xFFFFFF80, v12  }
0x67: {  	s30 =	sor.u32 $0x10, s29;
	s20 =	sor.u32 $0x30, s29;
	s2 =	sor.u32 s2, s12;
	v16 =	vand.u32 $0x7F, v12;
	v8 =	vadd.s32 v3, v8;
	v3 =	vor.u32 v1, v5  }
0x68: {  	s29 =	sor.u32 $0x20, s29;
	s0 =	sand.u32 $0x70, s20;
	s2 =	sadd.s32 $0x200, s2;
	v5 =	vand.u32 $0xFFFFFF80, v7;
	v13 =	vor.u32 v4, v8;
	v4 =	vmov s30  }
0x69: {  	s0 =	sor.u32 s0, s2;
	v14 =	vadd.s32 v10, v5;
	s30 =	sand.u32 $0x50, s30;
	v10 =	vmov s29;
	v4 =	vshll.u32 v4, $0x7  }
0x6a: {  	s22 =	sand.u32 $0x40, s28;
	v8 =	vand.u32 $0xFFFFFF80, v9;
	s30 =	sor.u32 s30, s2;
	v5 =	vor.u32 v1, v4;
	v4 =	vshll.u32 v10, $0x7;
	v10 =	vld [tilespmem:s0+$0x0]  }
0x6b: {  	v7 =	vand.u32 $0x7F, v7;
	v9 =	vand.u32 $0x7F, v9;
	v6 =	vadd.s32 v6, v8;
	v8 =	vld [tilespmem:s30+$0x0];
	s0 =	sor.u32 s22, s2  }
0x6c: {  	v15 =	vadd.s32 v11, v15;
	s29 =	sand.u32 $0x60, s29;
	v11 =	vor.u32 v7, v14;
	v9 =	vor.u32 v9, v6;
	v6 =	vld [tilespmem:s0+$0x0]  }
0x6d: {  	s28 =	simm.s32 $0x4;
	v12 =	vmov s20;
	v7 =	vor.u32 v16, v15;
	s30 =	sor.u32 s29, s2;
	s29 =	simm.s32 $0x80;
	v4 =	vor.u32 v1, v4;
	[tilespmem:v13+s18+$0x0] =	vst.idx.add.f32.msk $0xffff, v2  }
.LBB2_4:
0x6e: {  	s0 =	sand.u32 $0x1C0, s29  }
0x6f: {  	v13 =	vld [tilespmem:s30+$0x0];
	v12 =	vshll.u32 v12, $0x7;
	s26 =	sadd.s32 $0x10, s26;
	s25 =	sadd.s32 $0x200, s25;
	s2 =	sand.u32 $0x7000, s29  }
0x70: {  	s28 =	sadd.s32 $0x4, s28;
	v14 =	vmov s0;
	s30 =	sand.u32 $0xC00, s25;
	v16 =	vand.u32 $0xFFFFFF80, v10;
	v12 =	vor.u32 v1, v12;
	s31 =	sand.u32 $0x380, s26  }
0x71: {  	p0 =	slt.u32 s28, $0x4FC;
	v10 =	vand.u32 $0x7F, v10;
	v14 =	vshll.u32 v14, $0x7;
	s2 =	sor.u32 s30, s2;
	v12 =	vadd.s32 v12, v16;
	v15 =	vmovc v8;
	s30 =	sor.u32 $0x10, s0  }
0x72: {  	s2 =	sor.u32 s2, s31;
	v8 =	vor.u32 v1, v14;
	s31 =	sor.u32 $0x30, s0;
	v14 =	vand.u32 $0xFFFFFF80, v15;
	v12 =	vor.u32 v10, v12;
	[tilespmem:v9+s18+$0x0] =	vst.idx.add.f32.msk $0xffff, v2;
	s0 =	sor.u32 $0x20, s0  }
0x73: {  	v9 =	vmov s30;
	s30 =	sand.u32 $0x50, s30;
	s2 =	sadd.s32 $0x200, s2;
	s12 =	sand.u32 $0x70, s31;
	v16 =	vand.u32 $0xFFFFFF80, v6;
	v14 =	vadd.s32 v5, v14;
	[tilespmem:v11+s18+$0x0] =	vst.idx.add.f32.msk $0xffff, v2  }
.Ltmp1:
0x74: {  	v5 =	vshll.u32 v9, $0x7;
	v9 =	vmov s0;
	s0 =	sand.u32 $0x60, s0;
	s12 =	sor.u32 s12, s2;
	v11 =	vand.u32 $0xFFFFFF80, v13;
	[tilespmem:v7+s18+$0x0] =	vst.idx.add.f32.msk $0xffff, v2;
	(pc) =	sbr.rel @p0 .LBB2_4-.Ltmp1, $4  }
0x75: {  	s20 =	sand.u32 $0x40, s29;
	s22 =	sor.u32 s30, s2;
	v5 =	vor.u32 v1, v5;
	v7 =	vshll.u32 v9, $0x7;
	s30 =	sor.u32 s0, s2;
	v9 =	vadd.s32 v3, v16;
	v3 =	vmovc v8;
	v10 =	vld [tilespmem:s12+$0x0]  }
0x76: {  	v6 =	vand.u32 $0x7F, v6;
	s0 =	sor.u32 s20, s2;
	v16 =	vadd.s32 v4, v11;
	v4 =	vor.u32 v1, v7;
	v8 =	vld [tilespmem:s22+$0x0]  }
0x77: {  	v13 =	vand.u32 $0x7F, v13;
	v9 =	vor.u32 v6, v9;
	v7 =	vand.u32 $0x7F, v15;
	[tilespmem:v12+s18+$0x0] =	vst.idx.add.f32.msk $0xffff, v2  }
0x78: {  	s29 =	sadd.s32 $0x40, s29;
	v11 =	vor.u32 v7, v14;
	v7 =	vor.u32 v13, v16;
	v12 =	vmov s31;
	v6 =	vld [tilespmem:s0+$0x0]  }
0x79: {  	v13 =	vld [tilespmem:s30+$0x0];
	v12 =	vshll.u32 v12, $0x7  }
0x7a: {  	v14 =	vand.u32 $0xFFFFFF80, v10;
	v12 =	vor.u32 v1, v12  }
0x7b: {  	v57 =	vand.u32 $0x7F, v10;
	v12 =	vadd.s32 v12, v14  }
0x7c: {  	v58 =	vand.u32 $0xFFFFFF80, v8;
	v62 =	vand.u32 $0x7F, v8;
	v10 =	vor.u32 v57, v12  }
0x7d: {  	v5 =	vadd.s32 v5, v58;
	v59 =	vand.u32 $0xFFFFFF80, v6;
	v60 =	vand.u32 $0x7F, v6  }
0x7e: {  	v5 =	vor.u32 v62, v5;
	v3 =	vadd.s32 v3, v59;
	v61 =	vand.u32 $0xFFFFFF80, v13  }
0x7f: {  	[tilespmem:v9+s18+$0x0] =	vst.idx.add.f32.msk $0xffff, v2;
	v63 =	vand.u32 $0x7F, v13;
	v3 =	vor.u32 v60, v3;
	v4 =	vadd.s32 v4, v61  }
0x80: {  	[tilespmem:v11+s18+$0x0] =	vst.idx.add.f32.msk $0xffff, v2;
	v4 =	vor.u32 v63, v4  }
0x81: {  	[tilespmem:v7+s18+$0x0] =	vst.idx.add.f32.msk $0xffff, v2  }
0x82: {  	[tilespmem:v10+s18+$0x0] =	vst.idx.add.f32.msk $0xffff, v2  }
0x83: {  	[tilespmem:v5+s18+$0x0] =	vst.idx.add.f32.msk $0xffff, v2  }
0x84: {  	[tilespmem:v3+s18+$0x0] =	vst.idx.add.f32.msk $0xffff, v2  }
0x85: {  	[tilespmem:v4+s18+$0x0] =	vst.idx.add.f32.msk $0xffff, v2  }
0x86: {  	[hbm4b:s7+s3] =	stream.linear.scatter [tilespmem:s18], [sflag:$0x4], $0x10000, $0x38;
	[tilespmem:$0x1D200] =	vst v63  }
0x87: {  	_ =	swait.ge [sflag:s19], $0x4000  }
0x88: {  	[sflag:s19] =	ssyncset.done $0x0  }
0x89: {  	[sflag:s19] =	ssyncadd.s32 $0xFFFFC000  }
0x8a: {  	[hbm4b:s6+s3] =	stream.linear.scatter [tilespmem:s15], [sflag:$0x5], $0x4000, $0x38;
	[tilespmem:$0x1D200] =	vst v63  }
0x8b: {  	_ =	swait.ge [sflag:s13], $0x4000  }
0x8c: {  	[sflag:s13] =	ssyncset.done $0x0  }
0x8d: {  	s0 =	simm.s32 $0x100;
	[sflag:s13] =	ssyncadd.s32 $0xFFFFC000  }
0x8e: {  	[tilespmem:s15], [sflag:$0x2] =	stream.indirect.gather [hbm4b:s1+s14], $0x80, s0, s14, $0xb8;
	[tilespmem:$0x1D200] =	vst v63  }
0x8f: {  	_ =	swait.ge [sflag:s21], $0x4000  }
0x90: {  	[sflag:s21] =	ssyncset.done $0x0  }
0x91: {  	[sflag:s21] =	ssyncadd.s32 $0xFFFFC000  }
0x92: {  	[hbm4b:s8+s3] =	stream.linear.scatter [tilespmem:s16], [sflag:$0x5], $0x4000, $0x38;
	[tilespmem:$0x1D200] =	vst v63  }
0x93: {  	_ =	swait.ge [sflag:s13], $0x4000  }
0x94: {  	[sflag:s13] =	ssyncset.done $0x0  }
0x95: {  	s31 =	simm.s32 $0x180;
	[sflag:s13] =	ssyncadd.s32 $0xFFFFC000  }
0x96: {  	[tilespmem:s16], [sflag:$0x3] =	stream.indirect.gather [hbm4b:s1+s14], $0x80, s31, s14, $0xb8;
	[tilespmem:$0x1D200] =	vst v63  }
0x97: {  	_ =	swait.ge [sflag:s19], $0x4000  }
0x98: {  	[sflag:s19] =	ssyncset.done $0x0  }
0x99: {  	[sflag:s19] =	ssyncadd.s32 $0xFFFFC000  }
0x9a: {  	[hbm4b:s9+s3] =	stream.linear.scatter [tilespmem:s15], [sflag:$0x5], $0x4000, $0x38;
	[tilespmem:$0x1D200] =	vst v63  }
0x9b: {  	_ =	swait.ge [sflag:s13], $0x4000  }
0x9c: {  	[sflag:s13] =	ssyncset.done $0x0  }
0x9d: {  	[sflag:s13] =	ssyncadd.s32 $0xFFFFC000  }
0x9e: {  	_ =	swait.ge [sflag:s21], $0x4000  }
0x9f: {  	[sflag:s21] =	ssyncset.done $0x0  }
0xa0: {  	s24 =	sadd.s32 $0x1, s24;
	[sflag:s21] =	ssyncadd.s32 $0xFFFFC000  }
0xa1: {  	[hbm4b:s10+s3] =	stream.linear.scatter [tilespmem:s16], [sflag:$0x5], $0x4000, $0x38;
	[tilespmem:$0x1D200] =	vst v63  }
0xa2: {  	p0 =	sne.s32 s24, s11;
	_ =	swait.ge [sflag:s13], $0x4000  }
.Ltmp2:
0xa3: {  	[sflag:s13] =	ssyncset.done $0x0;
	(pc) =	sbr.rel @p0 .LBB2_1-.Ltmp2, $4  }
0xa4: {  	[sflag:s13] =	ssyncadd.s32 $0xFFFFC000  }
0xa5: {  	_ =	swait.ge [sflag:s23], $0x10000  }
0xa6: {  	[sflag:s23] =	ssyncset.done $0x0  }
0xa7: {  	[sflag:s23] =	ssyncadd.s32 $0xFFFF0000  }
0xa8: {  	_ =	sfence.sel $0x180000  }
0xa9: {  	[bflag:$0x0] =	sbarrier.arrive $0xFFFF  }
0xaa: {  	_ =	strace $0x90000047  }
0xab: {  	s0 =	stileid.u32;
	[bflag:$0x2] =	sbarrier.arrive $0xFFFF  }
0xac: {  	p0 =	sne.s32 s0, $0x0;
	s0 =	rddreg [dreg:$0x4]  }
0xad: {  	s0 =	sadd.s32 @!p0 $0x100000, s0  }
0xae: {  	[sflag:s0] =	ssyncadd.tile.s32 @!p0 $0x1;
	_ =	shalt  }
.Lfunc_end2:
_tile_overlayer_lowered:
.L_overlay_start_2:
0xaf: {  	(tag) =	ssettag $0x2  }
0xb0: {  	s0 =	rddreg [dreg:$0x0];
	s2 =	stileid.u32  }
0xb1: {  	s1 =	rddreg [dreg:$0x1];
	p0 =	sne.s32 s2, $0x0  }
0xb2: {  	s3 =	rddreg [dreg:$0x2];
	[bflag:$0x3] =	sbarrier.arrive $0xFFFF;
	s2 =	simm.s32 @!p0 $0x1C05  }
0xb3: {  	[timem:s3], [sflag:s2] =	dma.local @!p0 [hbm:s0], s1  }
0xb4: {  	s0 =	simm.s32 @!p0 $0x5  }
0xb5: {  	_ =	swait.ge @!p0 [sflag:s0], s1  }
0xb6: {  	s1 =	ssub.s32 @!p0 $0x0, s1;
	[sflag:s0] =	ssyncset.done @!p0 $0x0  }
0xb7: {  	[sflag:s0] =	ssyncadd.s32 @!p0 s1  }
0xb8: {  	[bflag:$0x3] =	sbarrier.arrive $0xFFFF  }
0xb9: {  	_ =	shalt  }

</sc_bundles>
